<compile_context>
chip_gen: v7x
topology: tpu7x:2x2x1
jax: 0.10.2.dev20260603
libtpu: 0.0.44.dev20260713+nightly
codegen_flags: <defaults>
</compile_context>

<pallas_src>
import jax
import jax.numpy as jnp
from jax import lax
from jax.experimental import pallas as pl
from jax.experimental.pallas import tpu as pltpu
from jax.experimental.pallas import tpu_sc as plsc

K = 19
NC, NS, L = 2, 16, 16
NW = NC * NS
CPT = 8
KC = K * CPT
CS = 4096
BSC = 2
BN_TC = 8192


def _sc_partial(feats3, labels2, b_lo, b_hi):
    B, C, N = feats3.shape
    cpb = N // CS
    nch = (b_hi - b_lo) * cpb

    def sc_body(feats_hbm, labels_hbm, out_hbm, cnt_hbm,
                lab_v, feats_v, acc_v, cacc_v, sums_v, csums_v, blk_v,
                sem_f0, sem_f1, sem_l0, sem_l1):
        sem_f = (sem_f0, sem_f1)
        sem_l = (sem_l0, sem_l1)
        wid = lax.axis_index("s") * NC + lax.axis_index("c")
        c0 = wid * CPT
        iota = lax.iota(jnp.int32, L)
        ones = jnp.ones((L,), jnp.float32)
        zeros = jnp.zeros((L,), jnp.float32)

        def chunk_src(c):
            b = b_lo + lax.div(c, cpb)
            off = lax.rem(c, cpb) * CS
            return (feats_hbm.at[b, pl.ds(c0, CPT), pl.ds(off, CS)],
                    labels_hbm.at[b, pl.ds(off, CS)])

        def _z(i, c):
            acc_v[pl.ds(i * L, L)] = zeros
            return c
        lax.fori_loop(0, KC, _z, 0)

        def _zc(i, c):
            cacc_v[pl.ds(i * L, L)] = zeros
            return c
        lax.fori_loop(0, K, _zc, 0)

        for p in range(2):
            fsrc, lsrc = chunk_src(jnp.int32(p))
            pltpu.async_copy(fsrc, feats_v.at[p], sem_f[p])
            pltpu.async_copy(lsrc, lab_v.at[p], sem_l[p])

        def _outer(t, cr):
            for p in range(2):
                c = t * 2 + p
                fsrc, lsrc = chunk_src(c)
                pltpu.make_async_copy(fsrc, feats_v.at[p], sem_f[p]).wait()
                pltpu.make_async_copy(lsrc, lab_v.at[p], sem_l[p]).wait()

                @plsc.parallel_loop(0, CS // L, unroll=2)
                def _grp(g):
                    pp = g * L
                    labs = lab_v[p, pl.ds(pp, L)]
                    base = labs * (CPT * L) + iota
                    plsc.addupdate_scatter(cacc_v, [labs * L + iota], ones)
                    for cl in range(CPT):
                        f = feats_v[p, cl, pl.ds(pp, L)]
                        plsc.addupdate_scatter(acc_v, [base + cl * L], f)

                @pl.when(c + 2 < nch)
                def _prefetch():
                    fsrc2, lsrc2 = chunk_src(c + 2)
                    pltpu.async_copy(fsrc2, feats_v.at[p], sem_f[p])
                    pltpu.async_copy(lsrc2, lab_v.at[p], sem_l[p])
            return cr
        lax.fori_loop(0, nch // 2, _outer, 0)

        lane_last = iota == (L - 1)

        def _fold(i, c):
            tot = plsc.cumsum(acc_v[pl.ds(i * L, L)])
            plsc.store_scatter(sums_v, [iota * 0 + i], tot, mask=lane_last)
            return c
        lax.fori_loop(0, KC, _fold, 0)

        def _foldc(i, c):
            tot = plsc.cumsum(cacc_v[pl.ds(i * L, L)])
            plsc.store_scatter(csums_v, [iota * 0 + i], tot, mask=lane_last)
            return c
        lax.fori_loop(0, K, _foldc, 0)

        for s in range(KC // L + 1):
            i = s * L + iota
            k_idx = lax.shift_right_logical(i, 3)
            cl_idx = jnp.bitwise_and(i, CPT - 1)
            valid = k_idx < K
            a = sums_v[pl.ds(s * L, L)]
            plsc.store_scatter(blk_v, [cl_idx, k_idx], a, mask=valid)

        pltpu.sync_copy(blk_v, out_hbm.at[pl.ds(c0, CPT), :])

        @pl.when(wid == 0)
        def _wcnt():
            pltpu.sync_copy(csums_v, cnt_hbm)

    mesh = plsc.VectorSubcoreMesh(core_axis_name="c", subcore_axis_name="s",
                                  num_cores=NC, num_subcores=NS)
    return pl.kernel(
        sc_body,
        out_type=[
            jax.ShapeDtypeStruct((C, K), jnp.float32),
            jax.ShapeDtypeStruct((2 * L,), jnp.float32),
        ],
        mesh=mesh,
        compiler_params=pltpu.CompilerParams(needs_layout_passes=False),
        scratch_types=[
            pltpu.VMEM((2, CS), jnp.int32),
            pltpu.VMEM((2, CPT, CS), jnp.float32),
            pltpu.VMEM((KC * L,), jnp.float32),
            pltpu.VMEM((K * L,), jnp.float32),
            pltpu.VMEM((KC + L,), jnp.float32),
            pltpu.VMEM((2 * L,), jnp.float32),
            pltpu.VMEM((CPT, K), jnp.float32),
            pltpu.SemaphoreType.DMA,
            pltpu.SemaphoreType.DMA,
            pltpu.SemaphoreType.DMA,
            pltpu.SemaphoreType.DMA,
        ],
    )(feats3, labels2)


def _tc_kernel_body(feats_ref, labels_ref, out_ref, cnt_ref, *, bn):
    b = pl.program_id(0)
    j = pl.program_id(1)

    feats = feats_ref[0]
    labels = labels_ref[0]
    classes = lax.broadcasted_iota(jnp.int32, (K, bn), 0)
    onehot = (labels == classes).astype(jnp.float32)

    partial = lax.dot_general(
        feats, onehot,
        dimension_numbers=(((1,), (1,)), ((), ())),
        preferred_element_type=jnp.float32,
    )
    cnt_partial = jnp.sum(onehot, axis=1).reshape(1, K)

    @pl.when((b == 0) & (j == 0))
    def _init():
        out_ref[...] = partial
        cnt_ref[...] = cnt_partial

    @pl.when((b > 0) | (j > 0))
    def _acc():
        out_ref[...] += partial
        cnt_ref[...] += cnt_partial


def _tc_partial(feats3, labels2, bt):
    B, C, N = feats3.shape
    nb = N // BN_TC
    labels3 = labels2.reshape(B * nb, 1, BN_TC)
    return pl.pallas_call(
        lambda f, l, o, c: _tc_kernel_body(f, l, o, c, bn=BN_TC),
        grid=(bt, nb),
        in_specs=[
            pl.BlockSpec((1, C, BN_TC), lambda b, j: (b, 0, j)),
            pl.BlockSpec((1, 1, BN_TC), lambda b, j: (b * nb + j, 0, 0)),
        ],
        out_specs=[
            pl.BlockSpec((C, K), lambda b, j: (0, 0)),
            pl.BlockSpec((1, K), lambda b, j: (0, 0)),
        ],
        out_shape=[
            jax.ShapeDtypeStruct((C, K), jnp.float32),
            jax.ShapeDtypeStruct((1, K), jnp.float32),
        ],
    )(feats3, labels3)


def _finalize_body(ts_ref, tcnt_ref, ss_ref, scnt_ref, proto_ref, cnt_ref):
    sums = ts_ref[...] + ss_ref[...]
    cnt = tcnt_ref[...] + scnt_ref[0, :K].reshape(1, K)
    denom = jnp.maximum(cnt, 1.0)
    proto_ref[...] = jnp.where(cnt > 0.0, sums / denom, jnp.zeros_like(sums))
    cnt_ref[...] = cnt


def kernel(features, labels):
    B, C, H, W = features.shape
    N = H * W
    feats3 = features.reshape(B, C, N)
    labels2 = labels.reshape(B, N)

    tc_sums, tc_cnts = _tc_partial(feats3, labels2, B - BSC)
    sc_sums, sc_cnts = _sc_partial(feats3, labels2, B - BSC, B)

    protos_t, counts = pl.pallas_call(
        _finalize_body,
        out_shape=[
            jax.ShapeDtypeStruct((C, K), jnp.float32),
            jax.ShapeDtypeStruct((1, K), jnp.float32),
        ],
    )(tc_sums, tc_cnts, sc_sums, sc_cnts.reshape(1, 2 * L))

    return protos_t.T, counts.reshape(K)

# --- scband reference (transcript-rebuilt; emitter-appended) ---
"""Pipeline reference for scband-protos-19292993093657 (READ-ONLY COPY).

The authoritative reference and input builder live on the scoring server;
editing this copy changes nothing except your own understanding.
"""

import jax, jax.numpy as jnp
import numpy as np

NUM_CLASSES = 19

def setup_inputs(seed: int = 0) -> dict:
    key = jax.random.key(seed)
    k1, k2 = jax.random.split(key)
    features = jax.random.normal(k1, (8, 256, 128, 128), dtype=jnp.float32)
    # labels already at the feature map resolution, so nearest interpolation is identity
    labels = jax.random.randint(k2, (8, 128, 128), 0, NUM_CLASSES, dtype=jnp.int32)
    return {"features": features, "labels": labels}

def reference(features, labels):
    # Faithful to Protos.forward with exp=False:
    # labels are interpolated (nearest) to features' spatial dims -- identity here since
    # labels.shape[1:] == features.shape[2:].
    # For each class c, gather all feature vectors whose label == c across the batch and
    # compute the per-class mean (the prototype). The torch code does this with a python
    # loop + boolean masking + concat; here it is an equivalent scatter-add (segment_sum)
    # over flattened pixels, which yields identical math for the mean prototypes.
    B, C, H, W = features.shape
    flat_feats = jnp.transpose(features, (0, 2, 3, 1)).reshape(-1, C)  # [B*H*W, C]
    flat_labels = labels.reshape(-1)                                    # [B*H*W]
    sums = jax.ops.segment_sum(flat_feats, flat_labels, num_segments=NUM_CLASSES)  # [K, C]
    counts = jnp.bincount(flat_labels, length=NUM_CLASSES)                          # [K]
    denom = jnp.maximum(counts, 1).astype(features.dtype)[:, None]
    protos = jnp.where(counts[:, None] > 0, sums / denom, jnp.zeros_like(sums))     # [K, C]
    # Torch returns (protos dict, feat_vecs dict of ragged gathers); the ragged gathers
    # cannot be represented as a single dense array, so we return the dense prototype
    # matrix plus per-class sample counts (num_samples update values).
    return protos, counts.astype(jnp.float32)

if __name__ == "__main__":
    import jax
    _d = setup_inputs()
    print(jax.jit(kernel)(*tuple(_d.values())))

</pallas_src>

<mosaic_0001>
#map = affine_map<(d0, d1) -> (0, 0, 0)>
#map1 = affine_map<(d0, d1) -> (0, 0)>
#map2 = affine_map<(d0, d1) -> (0)>
module attributes {stable_mosaic.version = 14 : i64} {
  func.func @sc_body(%arg0: i32, %arg1: i32, %arg2: memref<8x256x16384xf32, #tpu.memory_space<hbm>>, %arg3: memref<8x16384xi32, #tpu.memory_space<hbm>>, %arg4: memref<256x19xf32, #tpu.memory_space<hbm>>, %arg5: memref<32xf32, #tpu.memory_space<hbm>>, %arg6: memref<2x4096xi32, #tpu.memory_space<vmem>>, %arg7: memref<2x8x4096xf32, #tpu.memory_space<vmem>>, %arg8: memref<2432xf32, #tpu.memory_space<vmem>>, %arg9: memref<304xf32, #tpu.memory_space<vmem>>, %arg10: memref<168xf32, #tpu.memory_space<vmem>>, %arg11: memref<32xf32, #tpu.memory_space<vmem>>, %arg12: memref<8x19xf32, #tpu.memory_space<vmem>>, %arg13: memref<!tpu.dma_semaphore, #tpu.memory_space<semaphore_mem>>, %arg14: memref<!tpu.dma_semaphore, #tpu.memory_space<semaphore_mem>>, %arg15: memref<!tpu.dma_semaphore, #tpu.memory_space<semaphore_mem>>, %arg16: memref<!tpu.dma_semaphore, #tpu.memory_space<semaphore_mem>>) attributes {dimension_semantics = [#tpu.dimension_semantics<core_parallel>, #tpu.dimension_semantics<subcore_parallel>], iteration_bounds = array<i64: 2, 16>, scalar_prefetch = 0 : i64, scratch_operands = 11 : i64, tpu.core_type = #tpu.core_type<sc_vector_subcore>, window_params = [{transform_indices = #map}, {transform_indices = #map1}, {transform_indices = #map1}, {transform_indices = #map2}]} {
    %mul3A = arith.constant 2 : i32
    %mul3A_0 = arith.muli %arg1, %mul3A : i32
    %add3A = arith.addi %mul3A_0, %arg0 : i32
    %mul3A_1 = arith.constant 8 : i32
    %mul3A_2 = arith.muli %add3A, %mul3A_1 : i32
    %iota3A = tpu.iota {dimensions = array<i32: 0>} : vector<16xi32>
    %broadcast_in_dim3A = arith.constant 1.000000e+00 : f32
    %broadcast_in_dim3A_3 = vector.broadcast %broadcast_in_dim3A : f32 to vector<16xf32>
    %broadcast_in_dim3A_4 = arith.constant 0.000000e+00 : f32
    %broadcast_in_dim3A_5 = vector.broadcast %broadcast_in_dim3A_4 : f32 to vector<16xf32>
    %scan3A = arith.constant 0 : i32
    %scan3A_6 = arith.constant 0 : i32
    %scan3A_7 = arith.constant 152 : i32
    %scan3A_8 = arith.addi %scan3A_6, %scan3A_7 : i32
    %scan3A_9 = arith.constant 1 : i32
    scf.for %scan3A_241 = %scan3A_6 to %scan3A_8 step %scan3A_9  : i32 {
      %mul3A_242 = arith.constant 16 : i32
      %mul3A_243 = arith.muli %scan3A_241, %mul3A_242 : i32
      %swap3A = arith.index_cast %mul3A_243 : i32 to index
      %swap3A_244 = tpu.vector_load %arg8[%swap3A] {strides = array<i32>} : memref<2432xf32, #tpu.memory_space<vmem>>, vector<16xf32>,
      tpu.vector_store %arg8[%swap3A], %broadcast_in_dim3A_5 {strides = array<i32>} : memref<2432xf32, #tpu.memory_space<vmem>>, vector<16xf32>,
    }
    %scan3A_10 = arith.constant 152 : i32
    %scan3A_11 = arith.constant 0 : i32
    %scan3A_12 = arith.constant 0 : i32
    %scan3A_13 = arith.constant 19 : i32
    %scan3A_14 = arith.addi %scan3A_12, %scan3A_13 : i32
    %scan3A_15 = arith.constant 1 : i32
    scf.for %scan3A_241 = %scan3A_12 to %scan3A_14 step %scan3A_15  : i32 {
      %mul3A_242 = arith.constant 16 : i32
      %mul3A_243 = arith.muli %scan3A_241, %mul3A_242 : i32
      %swap3A = arith.index_cast %mul3A_243 : i32 to index
      %swap3A_244 = tpu.vector_load %arg9[%swap3A] {strides = array<i32>} : memref<304xf32, #tpu.memory_space<vmem>>, vector<16xf32>,
      tpu.vector_store %arg9[%swap3A], %broadcast_in_dim3A_5 {strides = array<i32>} : memref<304xf32, #tpu.memory_space<vmem>>, vector<16xf32>,
    }
    %scan3A_16 = arith.constant 19 : i32
    %div3A = arith.constant 0 : i32
    %div3A_17 = arith.constant 4 : i32
    %div3A_18 = arith.divsi %div3A, %div3A_17 : i32
    %add3A_19 = arith.constant 6 : i32
    %add3A_20 = arith.addi %add3A_19, %div3A_18 : i32
    %rem3A = arith.constant 0 : i32
    %rem3A_21 = arith.constant 4 : i32
    %rem3A_22 = arith.remsi %rem3A, %rem3A_21 : i32
    %mul3A_23 = arith.constant 4096 : i32
    %mul3A_24 = arith.muli %rem3A_22, %mul3A_23 : i32
    %dma_start3A = arith.constant 0 : i32
    %dma_start3A_25 = arith.constant 0 : i32
    %dma_start3A_26 = arith.constant 0 : i32
    %dma_start3A_27 = tpu.memref_slice %arg7[%dma_start3A, %dma_start3A_25, %dma_start3A_26] : memref<2x8x4096xf32, #tpu.memory_space<vmem>> -> memref<1x8x4096xf32, #tpu.memory_space<vmem>>
    %dma_start3A_28 = tpu.memref_squeeze %dma_start3A_27 : memref<1x8x4096xf32, #tpu.memory_space<vmem>> -> memref<8x4096xf32, #tpu.memory_space<vmem>>
    %dma_start3A_29 = tpu.memref_slice %arg2[%add3A_20, %mul3A_2, %mul3A_24] : memref<8x256x16384xf32, #tpu.memory_space<hbm>> -> memref<1x8x4096xf32, #tpu.memory_space<hbm>>
    %dma_start3A_30 = tpu.memref_squeeze %dma_start3A_29 : memref<1x8x4096xf32, #tpu.memory_space<hbm>> -> memref<8x4096xf32, #tpu.memory_space<hbm>>
    %dma_start3A_31 = arith.constant 0 : i32
    %dma_start3A_32 = arith.constant 0 : i32
    %dma_start3A_33 = tpu.memref_slice %arg7[%dma_start3A, %dma_start3A_31, %dma_start3A_32] : memref<2x8x4096xf32, #tpu.memory_space<vmem>> -> memref<1x8x4096xf32, #tpu.memory_space<vmem>>
    %dma_start3A_34 = tpu.memref_squeeze %dma_start3A_33 : memref<1x8x4096xf32, #tpu.memory_space<vmem>> -> memref<8x4096xf32, #tpu.memory_space<vmem>>
    %dma_start3A_35 = tpu.memref_slice %arg2[%add3A_20, %mul3A_2, %mul3A_24] : memref<8x256x16384xf32, #tpu.memory_space<hbm>> -> memref<1x8x4096xf32, #tpu.memory_space<hbm>>
    %dma_start3A_36 = tpu.memref_squeeze %dma_start3A_35 : memref<1x8x4096xf32, #tpu.memory_space<hbm>> -> memref<8x4096xf32, #tpu.memory_space<hbm>>
    tpu.enqueue_dma source(%dma_start3A_36 : memref<8x4096xf32, #tpu.memory_space<hbm>>) target(%dma_start3A_34 : memref<8x4096xf32, #tpu.memory_space<vmem>>) target_semaphore(%arg13 : memref<!tpu.dma_semaphore, #tpu.memory_space<semaphore_mem>>)
    %dma_start3A_37 = arith.constant 0 : i32
    %dma_start3A_38 = arith.constant 0 : i32
    %dma_start3A_39 = tpu.memref_slice %arg6[%dma_start3A_37, %dma_start3A_38] : memref<2x4096xi32, #tpu.memory_space<vmem>> -> memref<1x4096xi32, #tpu.memory_space<vmem>>
    %dma_start3A_40 = tpu.memref_squeeze %dma_start3A_39 : memref<1x4096xi32, #tpu.memory_space<vmem>> -> memref<4096xi32, #tpu.memory_space<vmem>>
    %dma_start3A_41 = tpu.memref_slice %arg3[%add3A_20, %mul3A_24] : memref<8x16384xi32, #tpu.memory_space<hbm>> -> memref<1x4096xi32, #tpu.memory_space<hbm>>
    %dma_start3A_42 = tpu.memref_squeeze %dma_start3A_41 : memref<1x4096xi32, #tpu.memory_space<hbm>> -> memref<4096xi32, #tpu.memory_space<hbm>>
    %dma_start3A_43 = arith.constant 0 : i32
    %dma_start3A_44 = tpu.memref_slice %arg6[%dma_start3A_37, %dma_start3A_43] : memref<2x4096xi32, #tpu.memory_space<vmem>> -> memref<1x4096xi32, #tpu.memory_space<vmem>>
    %dma_start3A_45 = tpu.memref_squeeze %dma_start3A_44 : memref<1x4096xi32, #tpu.memory_space<vmem>> -> memref<4096xi32, #tpu.memory_space<vmem>>
    %dma_start3A_46 = tpu.memref_slice %arg3[%add3A_20, %mul3A_24] : memref<8x16384xi32, #tpu.memory_space<hbm>> -> memref<1x4096xi32, #tpu.memory_space<hbm>>
    %dma_start3A_47 = tpu.memref_squeeze %dma_start3A_46 : memref<1x4096xi32, #tpu.memory_space<hbm>> -> memref<4096xi32, #tpu.memory_space<hbm>>
    tpu.enqueue_dma source(%dma_start3A_47 : memref<4096xi32, #tpu.memory_space<hbm>>) target(%dma_start3A_45 : memref<4096xi32, #tpu.memory_space<vmem>>) target_semaphore(%arg15 : memref<!tpu.dma_semaphore, #tpu.memory_space<semaphore_mem>>)
    %div3A_48 = arith.constant 1 : i32
    %div3A_49 = arith.constant 4 : i32
    %div3A_50 = arith.divsi %div3A_48, %div3A_49 : i32
    %add3A_51 = arith.constant 6 : i32
    %add3A_52 = arith.addi %add3A_51, %div3A_50 : i32
    %rem3A_53 = arith.constant 1 : i32
    %rem3A_54 = arith.constant 4 : i32
    %rem3A_55 = arith.remsi %rem3A_53, %rem3A_54 : i32
    %mul3A_56 = arith.constant 4096 : i32
    %mul3A_57 = arith.muli %rem3A_55, %mul3A_56 : i32
    %dma_start3A_58 = arith.constant 1 : i32
    %dma_start3A_59 = arith.constant 0 : i32
    %dma_start3A_60 = arith.constant 0 : i32
    %dma_start3A_61 = tpu.memref_slice %arg7[%dma_start3A_58, %dma_start3A_59, %dma_start3A_60] : memref<2x8x4096xf32, #tpu.memory_space<vmem>> -> memref<1x8x4096xf32, #tpu.memory_space<vmem>>
    %dma_start3A_62 = tpu.memref_squeeze %dma_start3A_61 : memref<1x8x4096xf32, #tpu.memory_space<vmem>> -> memref<8x4096xf32, #tpu.memory_space<vmem>>
    %dma_start3A_63 = tpu.memref_slice %arg2[%add3A_52, %mul3A_2, %mul3A_57] : memref<8x256x16384xf32, #tpu.memory_space<hbm>> -> memref<1x8x4096xf32, #tpu.memory_space<hbm>>
    %dma_start3A_64 = tpu.memref_squeeze %dma_start3A_63 : memref<1x8x4096xf32, #tpu.memory_space<hbm>> -> memref<8x4096xf32, #tpu.memory_space<hbm>>
    %dma_start3A_65 = arith.constant 0 : i32
    %dma_start3A_66 = arith.constant 0 : i32
    %dma_start3A_67 = tpu.memref_slice %arg7[%dma_start3A_58, %dma_start3A_65, %dma_start3A_66] : memref<2x8x4096xf32, #tpu.memory_space<vmem>> -> memref<1x8x4096xf32, #tpu.memory_space<vmem>>
    %dma_start3A_68 = tpu.memref_squeeze %dma_start3A_67 : memref<1x8x4096xf32, #tpu.memory_space<vmem>> -> memref<8x4096xf32, #tpu.memory_space<vmem>>
    %dma_start3A_69 = tpu.memref_slice %arg2[%add3A_52, %mul3A_2, %mul3A_57] : memref<8x256x16384xf32, #tpu.memory_space<hbm>> -> memref<1x8x4096xf32, #tpu.memory_space<hbm>>
    %dma_start3A_70 = tpu.memref_squeeze %dma_start3A_69 : memref<1x8x4096xf32, #tpu.memory_space<hbm>> -> memref<8x4096xf32, #tpu.memory_space<hbm>>
    tpu.enqueue_dma source(%dma_start3A_70 : memref<8x4096xf32, #tpu.memory_space<hbm>>) target(%dma_start3A_68 : memref<8x4096xf32, #tpu.memory_space<vmem>>) target_semaphore(%arg14 : memref<!tpu.dma_semaphore, #tpu.memory_space<semaphore_mem>>)
    %dma_start3A_71 = arith.constant 1 : i32
    %dma_start3A_72 = arith.constant 0 : i32
    %dma_start3A_73 = tpu.memref_slice %arg6[%dma_start3A_71, %dma_start3A_72] : memref<2x4096xi32, #tpu.memory_space<vmem>> -> memref<1x4096xi32, #tpu.memory_space<vmem>>
    %dma_start3A_74 = tpu.memref_squeeze %dma_start3A_73 : memref<1x4096xi32, #tpu.memory_space<vmem>> -> memref<4096xi32, #tpu.memory_space<vmem>>
    %dma_start3A_75 = tpu.memref_slice %arg3[%add3A_52, %mul3A_57] : memref<8x16384xi32, #tpu.memory_space<hbm>> -> memref<1x4096xi32, #tpu.memory_space<hbm>>
    %dma_start3A_76 = tpu.memref_squeeze %dma_start3A_75 : memref<1x4096xi32, #tpu.memory_space<hbm>> -> memref<4096xi32, #tpu.memory_space<hbm>>
    %dma_start3A_77 = arith.constant 0 : i32
    %dma_start3A_78 = tpu.memref_slice %arg6[%dma_start3A_71, %dma_start3A_77] : memref<2x4096xi32, #tpu.memory_space<vmem>> -> memref<1x4096xi32, #tpu.memory_space<vmem>>
    %dma_start3A_79 = tpu.memref_squeeze %dma_start3A_78 : memref<1x4096xi32, #tpu.memory_space<vmem>> -> memref<4096xi32, #tpu.memory_space<vmem>>
    %dma_start3A_80 = tpu.memref_slice %arg3[%add3A_52, %mul3A_57] : memref<8x16384xi32, #tpu.memory_space<hbm>> -> memref<1x4096xi32, #tpu.memory_space<hbm>>
    %dma_start3A_81 = tpu.memref_squeeze %dma_start3A_80 : memref<1x4096xi32, #tpu.memory_space<hbm>> -> memref<4096xi32, #tpu.memory_space<hbm>>
    tpu.enqueue_dma source(%dma_start3A_81 : memref<4096xi32, #tpu.memory_space<hbm>>) target(%dma_start3A_79 : memref<4096xi32, #tpu.memory_space<vmem>>) target_semaphore(%arg16 : memref<!tpu.dma_semaphore, #tpu.memory_space<semaphore_mem>>)
    %scan3A_82 = arith.constant 0 : i32
    %scan3A_83 = arith.constant 0 : i32
    %scan3A_84 = arith.constant 4 : i32
    %scan3A_85 = arith.addi %scan3A_83, %scan3A_84 : i32
    %scan3A_86 = arith.constant 1 : i32
    scf.for %scan3A_241 = %scan3A_83 to %scan3A_85 step %scan3A_86  : i32 {
      %mul3A_242 = arith.constant 2 : i32
      %mul3A_243 = arith.muli %scan3A_241, %mul3A_242 : i32
      %add3A_244 = arith.constant 0 : i32
      %add3A_245 = arith.addi %mul3A_243, %add3A_244 : i32
      %div3A_246 = arith.constant 4 : i32
      %div3A_247 = arith.divsi %add3A_245, %div3A_246 : i32
      %add3A_248 = arith.constant 6 : i32
      %add3A_249 = arith.addi %add3A_248, %div3A_247 : i32
      %rem3A_250 = arith.constant 4 : i32
      %rem3A_251 = arith.remsi %add3A_245, %rem3A_250 : i32
      %mul3A_252 = arith.constant 4096 : i32
      %mul3A_253 = arith.muli %rem3A_251, %mul3A_252 : i32
      %dma_wait3A = arith.constant 0 : i32
      %dma_wait3A_254 = arith.constant 0 : i32
      %dma_wait3A_255 = arith.constant 0 : i32
      %dma_wait3A_256 = tpu.memref_slice %arg7[%dma_wait3A, %dma_wait3A_254, %dma_wait3A_255] : memref<2x8x4096xf32, #tpu.memory_space<vmem>> -> memref<1x8x4096xf32, #tpu.memory_space<vmem>>
      %dma_wait3A_257 = tpu.memref_squeeze %dma_wait3A_256 : memref<1x8x4096xf32, #tpu.memory_space<vmem>> -> memref<8x4096xf32, #tpu.memory_space<vmem>>
      %dma_wait3A_258 = tpu.memref_slice %arg2[%add3A_249, %mul3A_2, %mul3A_253] : memref<8x256x16384xf32, #tpu.memory_space<hbm>> -> memref<1x8x4096xf32, #tpu.memory_space<hbm>>
      %dma_wait3A_259 = tpu.memref_squeeze %dma_wait3A_258 : memref<1x8x4096xf32, #tpu.memory_space<hbm>> -> memref<8x4096xf32, #tpu.memory_space<hbm>>
      %dma_wait3A_260 = arith.constant 0 : i32
      %dma_wait3A_261 = arith.constant 0 : i32
      %dma_wait3A_262 = tpu.memref_slice %arg7[%dma_wait3A, %dma_wait3A_260, %dma_wait3A_261] : memref<2x8x4096xf32, #tpu.memory_space<vmem>> -> memref<1x8x4096xf32, #tpu.memory_space<vmem>>
      %dma_wait3A_263 = tpu.memref_squeeze %dma_wait3A_262 : memref<1x8x4096xf32, #tpu.memory_space<vmem>> -> memref<8x4096xf32, #tpu.memory_space<vmem>>
      %dma_wait3A_264 = tpu.memref_slice %arg2[%add3A_249, %mul3A_2, %mul3A_253] : memref<8x256x16384xf32, #tpu.memory_space<hbm>> -> memref<1x8x4096xf32, #tpu.memory_space<hbm>>
      %dma_wait3A_265 = tpu.memref_squeeze %dma_wait3A_264 : memref<1x8x4096xf32, #tpu.memory_space<hbm>> -> memref<8x4096xf32, #tpu.memory_space<hbm>>
      tpu.wait_dma2 semaphore(%arg13 : memref<!tpu.dma_semaphore, #tpu.memory_space<semaphore_mem>>) src(%dma_wait3A_265 : memref<8x4096xf32, #tpu.memory_space<hbm>>) dst(%dma_wait3A_263 : memref<8x4096xf32, #tpu.memory_space<vmem>>)
      %dma_wait3A_266 = arith.constant 0 : i32
      %dma_wait3A_267 = arith.constant 0 : i32
      %dma_wait3A_268 = tpu.memref_slice %arg6[%dma_wait3A_266, %dma_wait3A_267] : memref<2x4096xi32, #tpu.memory_space<vmem>> -> memref<1x4096xi32, #tpu.memory_space<vmem>>
      %dma_wait3A_269 = tpu.memref_squeeze %dma_wait3A_268 : memref<1x4096xi32, #tpu.memory_space<vmem>> -> memref<4096xi32, #tpu.memory_space<vmem>>
      %dma_wait3A_270 = tpu.memref_slice %arg3[%add3A_249, %mul3A_253] : memref<8x16384xi32, #tpu.memory_space<hbm>> -> memref<1x4096xi32, #tpu.memory_space<hbm>>
      %dma_wait3A_271 = tpu.memref_squeeze %dma_wait3A_270 : memref<1x4096xi32, #tpu.memory_space<hbm>> -> memref<4096xi32, #tpu.memory_space<hbm>>
      %dma_wait3A_272 = arith.constant 0 : i32
      %dma_wait3A_273 = tpu.memref_slice %arg6[%dma_wait3A_266, %dma_wait3A_272] : memref<2x4096xi32, #tpu.memory_space<vmem>> -> memref<1x4096xi32, #tpu.memory_space<vmem>>
      %dma_wait3A_274 = tpu.memref_squeeze %dma_wait3A_273 : memref<1x4096xi32, #tpu.memory_space<vmem>> -> memref<4096xi32, #tpu.memory_space<vmem>>
      %dma_wait3A_275 = tpu.memref_slice %arg3[%add3A_249, %mul3A_253] : memref<8x16384xi32, #tpu.memory_space<hbm>> -> memref<1x4096xi32, #tpu.memory_space<hbm>>
      %dma_wait3A_276 = tpu.memref_squeeze %dma_wait3A_275 : memref<1x4096xi32, #tpu.memory_space<hbm>> -> memref<4096xi32, #tpu.memory_space<hbm>>
      tpu.wait_dma2 semaphore(%arg15 : memref<!tpu.dma_semaphore, #tpu.memory_space<semaphore_mem>>) src(%dma_wait3A_276 : memref<4096xi32, #tpu.memory_space<hbm>>) dst(%dma_wait3A_274 : memref<4096xi32, #tpu.memory_space<vmem>>)
      %parallel_loop3A = arith.constant 0 : i32
      %parallel_loop3A_277 = arith.constant 256 : i32
      %parallel_loop3A_278 = arith.constant 1 : i32
      scf.for %parallel_loop3A_332 = %parallel_loop3A to %parallel_loop3A_277 step %parallel_loop3A_278  : i32 {
        %parallel_loop3A_333 = arith.constant 16 : i32
        %parallel_loop3A_334 = arith.muli %parallel_loop3A_332, %parallel_loop3A_333 : i32
        %parallel_loop3A_335 = arith.constant 0 : i32
        %parallel_loop3A_336 = arith.index_cast %parallel_loop3A_335 : i32 to index
        %parallel_loop3A_337 = arith.index_cast %parallel_loop3A_334 : i32 to index
        %parallel_loop3A_338 = tpu.vector_load %arg6[%parallel_loop3A_336, %parallel_loop3A_337] {strides = array<i32>} : memref<2x4096xi32, #tpu.memory_space<vmem>>, vector<16xi32>,
        %parallel_loop3A_339 = arith.constant 128 : i32
        %parallel_loop3A_340 = vector.broadcast %parallel_loop3A_339 : i32 to vector<16xi32>
        %parallel_loop3A_341 = arith.muli %parallel_loop3A_338, %parallel_loop3A_340 : vector<16xi32>
        %parallel_loop3A_342 = arith.addi %parallel_loop3A_341, %iota3A : vector<16xi32>
        %parallel_loop3A_343 = arith.constant 16 : i32
        %parallel_loop3A_344 = vector.broadcast %parallel_loop3A_343 : i32 to vector<16xi32>
        %parallel_loop3A_345 = arith.muli %parallel_loop3A_338, %parallel_loop3A_344 : vector<16xi32>
        %parallel_loop3A_346 = arith.addi %parallel_loop3A_345, %iota3A : vector<16xi32>
        tpu.vector_store_idx %arg9[%parallel_loop3A_346], %broadcast_in_dim3A_3 {add = true} : memref<304xf32, #tpu.memory_space<vmem>>[vector<16xi32>], vector<16xf32>,
        %parallel_loop3A_347 = arith.constant 0 : i32
        %parallel_loop3A_348 = arith.constant 0 : i32
        %parallel_loop3A_349 = arith.index_cast %parallel_loop3A_347 : i32 to index
        %parallel_loop3A_350 = arith.index_cast %parallel_loop3A_348 : i32 to index
        %parallel_loop3A_351 = arith.index_cast %parallel_loop3A_334 : i32 to index
        %parallel_loop3A_352 = tpu.vector_load %arg7[%parallel_loop3A_349, %parallel_loop3A_350, %parallel_loop3A_351] {strides = array<i32>} : memref<2x8x4096xf32, #tpu.memory_space<vmem>>, vector<16xf32>,
        %parallel_loop3A_353 = arith.constant 0 : i32
        %parallel_loop3A_354 = vector.broadcast %parallel_loop3A_353 : i32 to vector<16xi32>
        %parallel_loop3A_355 = arith.addi %parallel_loop3A_342, %parallel_loop3A_354 : vector<16xi32>
        tpu.vector_store_idx %arg8[%parallel_loop3A_355], %parallel_loop3A_352 {add = true} : memref<2432xf32, #tpu.memory_space<vmem>>[vector<16xi32>], vector<16xf32>,
        %parallel_loop3A_356 = arith.constant 0 : i32
        %parallel_loop3A_357 = arith.constant 1 : i32
        %parallel_loop3A_358 = arith.index_cast %parallel_loop3A_356 : i32 to index
        %parallel_loop3A_359 = arith.index_cast %parallel_loop3A_357 : i32 to index
        %parallel_loop3A_360 = arith.index_cast %parallel_loop3A_334 : i32 to index
        %parallel_loop3A_361 = tpu.vector_load %arg7[%parallel_loop3A_358, %parallel_loop3A_359, %parallel_loop3A_360] {strides = array<i32>} : memref<2x8x4096xf32, #tpu.memory_space<vmem>>, vector<16xf32>,
        %parallel_loop3A_362 = arith.constant 16 : i32
        %parallel_loop3A_363 = vector.broadcast %parallel_loop3A_362 : i32 to vector<16xi32>
        %parallel_loop3A_364 = arith.addi %parallel_loop3A_342, %parallel_loop3A_363 : vector<16xi32>
        tpu.vector_store_idx %arg8[%parallel_loop3A_364], %parallel_loop3A_361 {add = true} : memref<2432xf32, #tpu.memory_space<vmem>>[vector<16xi32>], vector<16xf32>,
        %parallel_loop3A_365 = arith.constant 0 : i32
        %parallel_loop3A_366 = arith.constant 2 : i32
        %parallel_loop3A_367 = arith.index_cast %parallel_loop3A_365 : i32 to index
        %parallel_loop3A_368 = arith.index_cast %parallel_loop3A_366 : i32 to index
        %parallel_loop3A_369 = arith.index_cast %parallel_loop3A_334 : i32 to index
        %parallel_loop3A_370 = tpu.vector_load %arg7[%parallel_loop3A_367, %parallel_loop3A_368, %parallel_loop3A_369] {strides = array<i32>} : memref<2x8x4096xf32, #tpu.memory_space<vmem>>, vector<16xf32>,
        %parallel_loop3A_371 = arith.constant 32 : i32
        %parallel_loop3A_372 = vector.broadcast %parallel_loop3A_371 : i32 to vector<16xi32>
        %parallel_loop3A_373 = arith.addi %parallel_loop3A_342, %parallel_loop3A_372 : vector<16xi32>
        tpu.vector_store_idx %arg8[%parallel_loop3A_373], %parallel_loop3A_370 {add = true} : memref<2432xf32, #tpu.memory_space<vmem>>[vector<16xi32>], vector<16xf32>,
        %parallel_loop3A_374 = arith.constant 0 : i32
        %parallel_loop3A_375 = arith.constant 3 : i32
        %parallel_loop3A_376 = arith.index_cast %parallel_loop3A_374 : i32 to index
        %parallel_loop3A_377 = arith.index_cast %parallel_loop3A_375 : i32 to index
        %parallel_loop3A_378 = arith.index_cast %parallel_loop3A_334 : i32 to index
        %parallel_loop3A_379 = tpu.vector_load %arg7[%parallel_loop3A_376, %parallel_loop3A_377, %parallel_loop3A_378] {strides = array<i32>} : memref<2x8x4096xf32, #tpu.memory_space<vmem>>, vector<16xf32>,
        %parallel_loop3A_380 = arith.constant 48 : i32
        %parallel_loop3A_381 = vector.broadcast %parallel_loop3A_380 : i32 to vector<16xi32>
        %parallel_loop3A_382 = arith.addi %parallel_loop3A_342, %parallel_loop3A_381 : vector<16xi32>
        tpu.vector_store_idx %arg8[%parallel_loop3A_382], %parallel_loop3A_379 {add = true} : memref<2432xf32, #tpu.memory_space<vmem>>[vector<16xi32>], vector<16xf32>,
        %parallel_loop3A_383 = arith.constant 0 : i32
        %parallel_loop3A_384 = arith.constant 4 : i32
        %parallel_loop3A_385 = arith.index_cast %parallel_loop3A_383 : i32 to index
        %parallel_loop3A_386 = arith.index_cast %parallel_loop3A_384 : i32 to index
        %parallel_loop3A_387 = arith.index_cast %parallel_loop3A_334 : i32 to index
        %parallel_loop3A_388 = tpu.vector_load %arg7[%parallel_loop3A_385, %parallel_loop3A_386, %parallel_loop3A_387] {strides = array<i32>} : memref<2x8x4096xf32, #tpu.memory_space<vmem>>, vector<16xf32>,
        %parallel_loop3A_389 = arith.constant 64 : i32
        %parallel_loop3A_390 = vector.broadcast %parallel_loop3A_389 : i32 to vector<16xi32>
        %parallel_loop3A_391 = arith.addi %parallel_loop3A_342, %parallel_loop3A_390 : vector<16xi32>
        tpu.vector_store_idx %arg8[%parallel_loop3A_391], %parallel_loop3A_388 {add = true} : memref<2432xf32, #tpu.memory_space<vmem>>[vector<16xi32>], vector<16xf32>,
        %parallel_loop3A_392 = arith.constant 0 : i32
        %parallel_loop3A_393 = arith.constant 5 : i32
        %parallel_loop3A_394 = arith.index_cast %parallel_loop3A_392 : i32 to index
        %parallel_loop3A_395 = arith.index_cast %parallel_loop3A_393 : i32 to index
        %parallel_loop3A_396 = arith.index_cast %parallel_loop3A_334 : i32 to index
        %parallel_loop3A_397 = tpu.vector_load %arg7[%parallel_loop3A_394, %parallel_loop3A_395, %parallel_loop3A_396] {strides = array<i32>} : memref<2x8x4096xf32, #tpu.memory_space<vmem>>, vector<16xf32>,
        %parallel_loop3A_398 = arith.constant 80 : i32
        %parallel_loop3A_399 = vector.broadcast %parallel_loop3A_398 : i32 to vector<16xi32>
        %parallel_loop3A_400 = arith.addi %parallel_loop3A_342, %parallel_loop3A_399 : vector<16xi32>
        tpu.vector_store_idx %arg8[%parallel_loop3A_400], %parallel_loop3A_397 {add = true} : memref<2432xf32, #tpu.memory_space<vmem>>[vector<16xi32>], vector<16xf32>,
        %parallel_loop3A_401 = arith.constant 0 : i32
        %parallel_loop3A_402 = arith.constant 6 : i32
        %parallel_loop3A_403 = arith.index_cast %parallel_loop3A_401 : i32 to index
        %parallel_loop3A_404 = arith.index_cast %parallel_loop3A_402 : i32 to index
        %parallel_loop3A_405 = arith.index_cast %parallel_loop3A_334 : i32 to index
        %parallel_loop3A_406 = tpu.vector_load %arg7[%parallel_loop3A_403, %parallel_loop3A_404, %parallel_loop3A_405] {strides = array<i32>} : memref<2x8x4096xf32, #tpu.memory_space<vmem>>, vector<16xf32>,
        %parallel_loop3A_407 = arith.constant 96 : i32
        %parallel_loop3A_408 = vector.broadcast %parallel_loop3A_407 : i32 to vector<16xi32>
        %parallel_loop3A_409 = arith.addi %parallel_loop3A_342, %parallel_loop3A_408 : vector<16xi32>
        tpu.vector_store_idx %arg8[%parallel_loop3A_409], %parallel_loop3A_406 {add = true} : memref<2432xf32, #tpu.memory_space<vmem>>[vector<16xi32>], vector<16xf32>,
        %parallel_loop3A_410 = arith.constant 0 : i32
        %parallel_loop3A_411 = arith.constant 7 : i32
        %parallel_loop3A_412 = arith.index_cast %parallel_loop3A_410 : i32 to index
        %parallel_loop3A_413 = arith.index_cast %parallel_loop3A_411 : i32 to index
        %parallel_loop3A_414 = arith.index_cast %parallel_loop3A_334 : i32 to index
        %parallel_loop3A_415 = tpu.vector_load %arg7[%parallel_loop3A_412, %parallel_loop3A_413, %parallel_loop3A_414] {strides = array<i32>} : memref<2x8x4096xf32, #tpu.memory_space<vmem>>, vector<16xf32>,
        %parallel_loop3A_416 = arith.constant 112 : i32
        %parallel_loop3A_417 = vector.broadcast %parallel_loop3A_416 : i32 to vector<16xi32>
        %parallel_loop3A_418 = arith.addi %parallel_loop3A_342, %parallel_loop3A_417 : vector<16xi32>
        tpu.vector_store_idx %arg8[%parallel_loop3A_418], %parallel_loop3A_415 {add = true} : memref<2432xf32, #tpu.memory_space<vmem>>[vector<16xi32>], vector<16xf32>,
      } {sc.loop_unroll_factor = 2 : i64, sc.parallel_access}
      %add3A_279 = arith.constant 2 : i32
      %add3A_280 = arith.addi %add3A_245, %add3A_279 : i32
      %lt3A_281 = arith.constant 8 : i32
      %lt3A_282 = arith.cmpi slt, %add3A_280, %lt3A_281 : i32
      %convert_element_type3A_283 = arith.extui %lt3A_282 : i1 to i32
      %cond3A_284 = arith.constant 0 : i32
      %cond3A_285 = arith.cmpi ne, %convert_element_type3A_283, %cond3A_284 : i32
      scf.if %cond3A_285 {
        %add3A_332 = arith.constant 2 : i32
        %add3A_333 = arith.addi %add3A_245, %add3A_332 : i32
        %div3A_334 = arith.constant 4 : i32
        %div3A_335 = arith.divsi %add3A_333, %div3A_334 : i32
        %add3A_336 = arith.constant 6 : i32
        %add3A_337 = arith.addi %add3A_336, %div3A_335 : i32
        %rem3A_338 = arith.constant 4 : i32
        %rem3A_339 = arith.remsi %add3A_333, %rem3A_338 : i32
        %mul3A_340 = arith.constant 4096 : i32
        %mul3A_341 = arith.muli %rem3A_339, %mul3A_340 : i32
        %dma_start3A_342 = arith.constant 0 : i32
        %dma_start3A_343 = arith.constant 0 : i32
        %dma_start3A_344 = arith.constant 0 : i32
        %dma_start3A_345 = tpu.memref_slice %arg7[%dma_start3A_342, %dma_start3A_343, %dma_start3A_344] : memref<2x8x4096xf32, #tpu.memory_space<vmem>> -> memref<1x8x4096xf32, #tpu.memory_space<vmem>>
        %dma_start3A_346 = tpu.memref_squeeze %dma_start3A_345 : memref<1x8x4096xf32, #tpu.memory_space<vmem>> -> memref<8x4096xf32, #tpu.memory_space<vmem>>
        %dma_start3A_347 = tpu.memref_slice %arg2[%add3A_337, %mul3A_2, %mul3A_341] : memref<8x256x16384xf32, #tpu.memory_space<hbm>> -> memref<1x8x4096xf32, #tpu.memory_space<hbm>>
        %dma_start3A_348 = tpu.memref_squeeze %dma_start3A_347 : memref<1x8x4096xf32, #tpu.memory_space<hbm>> -> memref<8x4096xf32, #tpu.memory_space<hbm>>
        %dma_start3A_349 = arith.constant 0 : i32
        %dma_start3A_350 = arith.constant 0 : i32
        %dma_start3A_351 = tpu.memref_slice %arg7[%dma_start3A_342, %dma_start3A_349, %dma_start3A_350] : memref<2x8x4096xf32, #tpu.memory_space<vmem>> -> memref<1x8x4096xf32, #tpu.memory_space<vmem>>
        %dma_start3A_352 = tpu.memref_squeeze %dma_start3A_351 : memref<1x8x4096xf32, #tpu.memory_space<vmem>> -> memref<8x4096xf32, #tpu.memory_space<vmem>>
        %dma_start3A_353 = tpu.memref_slice %arg2[%add3A_337, %mul3A_2, %mul3A_341] : memref<8x256x16384xf32, #tpu.memory_space<hbm>> -> memref<1x8x4096xf32, #tpu.memory_space<hbm>>
        %dma_start3A_354 = tpu.memref_squeeze %dma_start3A_353 : memref<1x8x4096xf32, #tpu.memory_space<hbm>> -> memref<8x4096xf32, #tpu.memory_space<hbm>>
        tpu.enqueue_dma source(%dma_start3A_354 : memref<8x4096xf32, #tpu.memory_space<hbm>>) target(%dma_start3A_352 : memref<8x4096xf32, #tpu.memory_space<vmem>>) target_semaphore(%arg13 : memref<!tpu.dma_semaphore, #tpu.memory_space<semaphore_mem>>)
        %dma_start3A_355 = arith.constant 0 : i32
        %dma_start3A_356 = arith.constant 0 : i32
        %dma_start3A_357 = tpu.memref_slice %arg6[%dma_start3A_355, %dma_start3A_356] : memref<2x4096xi32, #tpu.memory_space<vmem>> -> memref<1x4096xi32, #tpu.memory_space<vmem>>
        %dma_start3A_358 = tpu.memref_squeeze %dma_start3A_357 : memref<1x4096xi32, #tpu.memory_space<vmem>> -> memref<4096xi32, #tpu.memory_space<vmem>>
        %dma_start3A_359 = tpu.memref_slice %arg3[%add3A_337, %mul3A_341] : memref<8x16384xi32, #tpu.memory_space<hbm>> -> memref<1x4096xi32, #tpu.memory_space<hbm>>
        %dma_start3A_360 = tpu.memref_squeeze %dma_start3A_359 : memref<1x4096xi32, #tpu.memory_space<hbm>> -> memref<4096xi32, #tpu.memory_space<hbm>>
        %dma_start3A_361 = arith.constant 0 : i32
        %dma_start3A_362 = tpu.memref_slice %arg6[%dma_start3A_355, %dma_start3A_361] : memref<2x4096xi32, #tpu.memory_space<vmem>> -> memref<1x4096xi32, #tpu.memory_space<vmem>>
        %dma_start3A_363 = tpu.memref_squeeze %dma_start3A_362 : memref<1x4096xi32, #tpu.memory_space<vmem>> -> memref<4096xi32, #tpu.memory_space<vmem>>
        %dma_start3A_364 = tpu.memref_slice %arg3[%add3A_337, %mul3A_341] : memref<8x16384xi32, #tpu.memory_space<hbm>> -> memref<1x4096xi32, #tpu.memory_space<hbm>>
        %dma_start3A_365 = tpu.memref_squeeze %dma_start3A_364 : memref<1x4096xi32, #tpu.memory_space<hbm>> -> memref<4096xi32, #tpu.memory_space<hbm>>
        tpu.enqueue_dma source(%dma_start3A_365 : memref<4096xi32, #tpu.memory_space<hbm>>) target(%dma_start3A_363 : memref<4096xi32, #tpu.memory_space<vmem>>) target_semaphore(%arg15 : memref<!tpu.dma_semaphore, #tpu.memory_space<semaphore_mem>>)
      } else {
      }
      %mul3A_286 = arith.constant 2 : i32
      %mul3A_287 = arith.muli %scan3A_241, %mul3A_286 : i32
      %add3A_288 = arith.constant 1 : i32
      %add3A_289 = arith.addi %mul3A_287, %add3A_288 : i32
      %div3A_290 = arith.constant 4 : i32
      %div3A_291 = arith.divsi %add3A_289, %div3A_290 : i32
      %add3A_292 = arith.constant 6 : i32
      %add3A_293 = arith.addi %add3A_292, %div3A_291 : i32
      %rem3A_294 = arith.constant 4 : i32
      %rem3A_295 = arith.remsi %add3A_289, %rem3A_294 : i32
      %mul3A_296 = arith.constant 4096 : i32
      %mul3A_297 = arith.muli %rem3A_295, %mul3A_296 : i32
      %dma_wait3A_298 = arith.constant 1 : i32
      %dma_wait3A_299 = arith.constant 0 : i32
      %dma_wait3A_300 = arith.constant 0 : i32
      %dma_wait3A_301 = tpu.memref_slice %arg7[%dma_wait3A_298, %dma_wait3A_299, %dma_wait3A_300] : memref<2x8x4096xf32, #tpu.memory_space<vmem>> -> memref<1x8x4096xf32, #tpu.memory_space<vmem>>
      %dma_wait3A_302 = tpu.memref_squeeze %dma_wait3A_301 : memref<1x8x4096xf32, #tpu.memory_space<vmem>> -> memref<8x4096xf32, #tpu.memory_space<vmem>>
      %dma_wait3A_303 = tpu.memref_slice %arg2[%add3A_293, %mul3A_2, %mul3A_297] : memref<8x256x16384xf32, #tpu.memory_space<hbm>> -> memref<1x8x4096xf32, #tpu.memory_space<hbm>>
      %dma_wait3A_304 = tpu.memref_squeeze %dma_wait3A_303 : memref<1x8x4096xf32, #tpu.memory_space<hbm>> -> memref<8x4096xf32, #tpu.memory_space<hbm>>
      %dma_wait3A_305 = arith.constant 0 : i32
      %dma_wait3A_306 = arith.constant 0 : i32
      %dma_wait3A_307 = tpu.memref_slice %arg7[%dma_wait3A_298, %dma_wait3A_305, %dma_wait3A_306] : memref<2x8x4096xf32, #tpu.memory_space<vmem>> -> memref<1x8x4096xf32, #tpu.memory_space<vmem>>
      %dma_wait3A_308 = tpu.memref_squeeze %dma_wait3A_307 : memref<1x8x4096xf32, #tpu.memory_space<vmem>> -> memref<8x4096xf32, #tpu.memory_space<vmem>>
      %dma_wait3A_309 = tpu.memref_slice %arg2[%add3A_293, %mul3A_2, %mul3A_297] : memref<8x256x16384xf32, #tpu.memory_space<hbm>> -> memref<1x8x4096xf32, #tpu.memory_space<hbm>>
      %dma_wait3A_310 = tpu.memref_squeeze %dma_wait3A_309 : memref<1x8x4096xf32, #tpu.memory_space<hbm>> -> memref<8x4096xf32, #tpu.memory_space<hbm>>
      tpu.wait_dma2 semaphore(%arg14 : memref<!tpu.dma_semaphore, #tpu.memory_space<semaphore_mem>>) src(%dma_wait3A_310 : memref<8x4096xf32, #tpu.memory_space<hbm>>) dst(%dma_wait3A_308 : memref<8x4096xf32, #tpu.memory_space<vmem>>)
      %dma_wait3A_311 = arith.constant 1 : i32
      %dma_wait3A_312 = arith.constant 0 : i32
      %dma_wait3A_313 = tpu.memref_slice %arg6[%dma_wait3A_311, %dma_wait3A_312] : memref<2x4096xi32, #tpu.memory_space<vmem>> -> memref<1x4096xi32, #tpu.memory_space<vmem>>
      %dma_wait3A_314 = tpu.memref_squeeze %dma_wait3A_313 : memref<1x4096xi32, #tpu.memory_space<vmem>> -> memref<4096xi32, #tpu.memory_space<vmem>>
      %dma_wait3A_315 = tpu.memref_slice %arg3[%add3A_293, %mul3A_297] : memref<8x16384xi32, #tpu.memory_space<hbm>> -> memref<1x4096xi32, #tpu.memory_space<hbm>>
      %dma_wait3A_316 = tpu.memref_squeeze %dma_wait3A_315 : memref<1x4096xi32, #tpu.memory_space<hbm>> -> memref<4096xi32, #tpu.memory_space<hbm>>
      %dma_wait3A_317 = arith.constant 0 : i32
      %dma_wait3A_318 = tpu.memref_slice %arg6[%dma_wait3A_311, %dma_wait3A_317] : memref<2x4096xi32, #tpu.memory_space<vmem>> -> memref<1x4096xi32, #tpu.memory_space<vmem>>
      %dma_wait3A_319 = tpu.memref_squeeze %dma_wait3A_318 : memref<1x4096xi32, #tpu.memory_space<vmem>> -> memref<4096xi32, #tpu.memory_space<vmem>>
      %dma_wait3A_320 = tpu.memref_slice %arg3[%add3A_293, %mul3A_297] : memref<8x16384xi32, #tpu.memory_space<hbm>> -> memref<1x4096xi32, #tpu.memory_space<hbm>>
      %dma_wait3A_321 = tpu.memref_squeeze %dma_wait3A_320 : memref<1x4096xi32, #tpu.memory_space<hbm>> -> memref<4096xi32, #tpu.memory_space<hbm>>
      tpu.wait_dma2 semaphore(%arg16 : memref<!tpu.dma_semaphore, #tpu.memory_space<semaphore_mem>>) src(%dma_wait3A_321 : memref<4096xi32, #tpu.memory_space<hbm>>) dst(%dma_wait3A_319 : memref<4096xi32, #tpu.memory_space<vmem>>)
      %parallel_loop3A_322 = arith.constant 0 : i32
      %parallel_loop3A_323 = arith.constant 256 : i32
      %parallel_loop3A_324 = arith.constant 1 : i32
      scf.for %parallel_loop3A_332 = %parallel_loop3A_322 to %parallel_loop3A_323 step %parallel_loop3A_324  : i32 {
        %parallel_loop3A_333 = arith.constant 16 : i32
        %parallel_loop3A_334 = arith.muli %parallel_loop3A_332, %parallel_loop3A_333 : i32
        %parallel_loop3A_335 = arith.constant 1 : i32
        %parallel_loop3A_336 = arith.index_cast %parallel_loop3A_335 : i32 to index
        %parallel_loop3A_337 = arith.index_cast %parallel_loop3A_334 : i32 to index
        %parallel_loop3A_338 = tpu.vector_load %arg6[%parallel_loop3A_336, %parallel_loop3A_337] {strides = array<i32>} : memref<2x4096xi32, #tpu.memory_space<vmem>>, vector<16xi32>,
        %parallel_loop3A_339 = arith.constant 128 : i32
        %parallel_loop3A_340 = vector.broadcast %parallel_loop3A_339 : i32 to vector<16xi32>
        %parallel_loop3A_341 = arith.muli %parallel_loop3A_338, %parallel_loop3A_340 : vector<16xi32>
        %parallel_loop3A_342 = arith.addi %parallel_loop3A_341, %iota3A : vector<16xi32>
        %parallel_loop3A_343 = arith.constant 16 : i32
        %parallel_loop3A_344 = vector.broadcast %parallel_loop3A_343 : i32 to vector<16xi32>
        %parallel_loop3A_345 = arith.muli %parallel_loop3A_338, %parallel_loop3A_344 : vector<16xi32>
        %parallel_loop3A_346 = arith.addi %parallel_loop3A_345, %iota3A : vector<16xi32>
        tpu.vector_store_idx %arg9[%parallel_loop3A_346], %broadcast_in_dim3A_3 {add = true} : memref<304xf32, #tpu.memory_space<vmem>>[vector<16xi32>], vector<16xf32>,
        %parallel_loop3A_347 = arith.constant 1 : i32
        %parallel_loop3A_348 = arith.constant 0 : i32
        %parallel_loop3A_349 = arith.index_cast %parallel_loop3A_347 : i32 to index
        %parallel_loop3A_350 = arith.index_cast %parallel_loop3A_348 : i32 to index
        %parallel_loop3A_351 = arith.index_cast %parallel_loop3A_334 : i32 to index
        %parallel_loop3A_352 = tpu.vector_load %arg7[%parallel_loop3A_349, %parallel_loop3A_350, %parallel_loop3A_351] {strides = array<i32>} : memref<2x8x4096xf32, #tpu.memory_space<vmem>>, vector<16xf32>,
        %parallel_loop3A_353 = arith.constant 0 : i32
        %parallel_loop3A_354 = vector.broadcast %parallel_loop3A_353 : i32 to vector<16xi32>
        %parallel_loop3A_355 = arith.addi %parallel_loop3A_342, %parallel_loop3A_354 : vector<16xi32>
        tpu.vector_store_idx %arg8[%parallel_loop3A_355], %parallel_loop3A_352 {add = true} : memref<2432xf32, #tpu.memory_space<vmem>>[vector<16xi32>], vector<16xf32>,
        %parallel_loop3A_356 = arith.constant 1 : i32
        %parallel_loop3A_357 = arith.constant 1 : i32
        %parallel_loop3A_358 = arith.index_cast %parallel_loop3A_356 : i32 to index
        %parallel_loop3A_359 = arith.index_cast %parallel_loop3A_357 : i32 to index
        %parallel_loop3A_360 = arith.index_cast %parallel_loop3A_334 : i32 to index
        %parallel_loop3A_361 = tpu.vector_load %arg7[%parallel_loop3A_358, %parallel_loop3A_359, %parallel_loop3A_360] {strides = array<i32>} : memref<2x8x4096xf32, #tpu.memory_space<vmem>>, vector<16xf32>,
        %parallel_loop3A_362 = arith.constant 16 : i32
        %parallel_loop3A_363 = vector.broadcast %parallel_loop3A_362 : i32 to vector<16xi32>
        %parallel_loop3A_364 = arith.addi %parallel_loop3A_342, %parallel_loop3A_363 : vector<16xi32>
        tpu.vector_store_idx %arg8[%parallel_loop3A_364], %parallel_loop3A_361 {add = true} : memref<2432xf32, #tpu.memory_space<vmem>>[vector<16xi32>], vector<16xf32>,
        %parallel_loop3A_365 = arith.constant 1 : i32
        %parallel_loop3A_366 = arith.constant 2 : i32
        %parallel_loop3A_367 = arith.index_cast %parallel_loop3A_365 : i32 to index
        %parallel_loop3A_368 = arith.index_cast %parallel_loop3A_366 : i32 to index
        %parallel_loop3A_369 = arith.index_cast %parallel_loop3A_334 : i32 to index
        %parallel_loop3A_370 = tpu.vector_load %arg7[%parallel_loop3A_367, %parallel_loop3A_368, %parallel_loop3A_369] {strides = array<i32>} : memref<2x8x4096xf32, #tpu.memory_space<vmem>>, vector<16xf32>,
        %parallel_loop3A_371 = arith.constant 32 : i32
        %parallel_loop3A_372 = vector.broadcast %parallel_loop3A_371 : i32 to vector<16xi32>
        %parallel_loop3A_373 = arith.addi %parallel_loop3A_342, %parallel_loop3A_372 : vector<16xi32>
        tpu.vector_store_idx %arg8[%parallel_loop3A_373], %parallel_loop3A_370 {add = true} : memref<2432xf32, #tpu.memory_space<vmem>>[vector<16xi32>], vector<16xf32>,
        %parallel_loop3A_374 = arith.constant 1 : i32
        %parallel_loop3A_375 = arith.constant 3 : i32
        %parallel_loop3A_376 = arith.index_cast %parallel_loop3A_374 : i32 to index
        %parallel_loop3A_377 = arith.index_cast %parallel_loop3A_375 : i32 to index
        %parallel_loop3A_378 = arith.index_cast %parallel_loop3A_334 : i32 to index
        %parallel_loop3A_379 = tpu.vector_load %arg7[%parallel_loop3A_376, %parallel_loop3A_377, %parallel_loop3A_378] {strides = array<i32>} : memref<2x8x4096xf32, #tpu.memory_space<vmem>>, vector<16xf32>,
        %parallel_loop3A_380 = arith.constant 48 : i32
        %parallel_loop3A_381 = vector.broadcast %parallel_loop3A_380 : i32 to vector<16xi32>
        %parallel_loop3A_382 = arith.addi %parallel_loop3A_342, %parallel_loop3A_381 : vector<16xi32>
        tpu.vector_store_idx %arg8[%parallel_loop3A_382], %parallel_loop3A_379 {add = true} : memref<2432xf32, #tpu.memory_space<vmem>>[vector<16xi32>], vector<16xf32>,
        %parallel_loop3A_383 = arith.constant 1 : i32
        %parallel_loop3A_384 = arith.constant 4 : i32
        %parallel_loop3A_385 = arith.index_cast %parallel_loop3A_383 : i32 to index
        %parallel_loop3A_386 = arith.index_cast %parallel_loop3A_384 : i32 to index
        %parallel_loop3A_387 = arith.index_cast %parallel_loop3A_334 : i32 to index
        %parallel_loop3A_388 = tpu.vector_load %arg7[%parallel_loop3A_385, %parallel_loop3A_386, %parallel_loop3A_387] {strides = array<i32>} : memref<2x8x4096xf32, #tpu.memory_space<vmem>>, vector<16xf32>,
        %parallel_loop3A_389 = arith.constant 64 : i32
        %parallel_loop3A_390 = vector.broadcast %parallel_loop3A_389 : i32 to vector<16xi32>
        %parallel_loop3A_391 = arith.addi %parallel_loop3A_342, %parallel_loop3A_390 : vector<16xi32>
        tpu.vector_store_idx %arg8[%parallel_loop3A_391], %parallel_loop3A_388 {add = true} : memref<2432xf32, #tpu.memory_space<vmem>>[vector<16xi32>], vector<16xf32>,
        %parallel_loop3A_392 = arith.constant 1 : i32
        %parallel_loop3A_393 = arith.constant 5 : i32
        %parallel_loop3A_394 = arith.index_cast %parallel_loop3A_392 : i32 to index
        %parallel_loop3A_395 = arith.index_cast %parallel_loop3A_393 : i32 to index
        %parallel_loop3A_396 = arith.index_cast %parallel_loop3A_334 : i32 to index
        %parallel_loop3A_397 = tpu.vector_load %arg7[%parallel_loop3A_394, %parallel_loop3A_395, %parallel_loop3A_396] {strides = array<i32>} : memref<2x8x4096xf32, #tpu.memory_space<vmem>>, vector<16xf32>,
        %parallel_loop3A_398 = arith.constant 80 : i32
        %parallel_loop3A_399 = vector.broadcast %parallel_loop3A_398 : i32 to vector<16xi32>
        %parallel_loop3A_400 = arith.addi %parallel_loop3A_342, %parallel_loop3A_399 : vector<16xi32>
        tpu.vector_store_idx %arg8[%parallel_loop3A_400], %parallel_loop3A_397 {add = true} : memref<2432xf32, #tpu.memory_space<vmem>>[vector<16xi32>], vector<16xf32>,
        %parallel_loop3A_401 = arith.constant 1 : i32
        %parallel_loop3A_402 = arith.constant 6 : i32
        %parallel_loop3A_403 = arith.index_cast %parallel_loop3A_401 : i32 to index
        %parallel_loop3A_404 = arith.index_cast %parallel_loop3A_402 : i32 to index
        %parallel_loop3A_405 = arith.index_cast %parallel_loop3A_334 : i32 to index
        %parallel_loop3A_406 = tpu.vector_load %arg7[%parallel_loop3A_403, %parallel_loop3A_404, %parallel_loop3A_405] {strides = array<i32>} : memref<2x8x4096xf32, #tpu.memory_space<vmem>>, vector<16xf32>,
        %parallel_loop3A_407 = arith.constant 96 : i32
        %parallel_loop3A_408 = vector.broadcast %parallel_loop3A_407 : i32 to vector<16xi32>
        %parallel_loop3A_409 = arith.addi %parallel_loop3A_342, %parallel_loop3A_408 : vector<16xi32>
        tpu.vector_store_idx %arg8[%parallel_loop3A_409], %parallel_loop3A_406 {add = true} : memref<2432xf32, #tpu.memory_space<vmem>>[vector<16xi32>], vector<16xf32>,
        %parallel_loop3A_410 = arith.constant 1 : i32
        %parallel_loop3A_411 = arith.constant 7 : i32
        %parallel_loop3A_412 = arith.index_cast %parallel_loop3A_410 : i32 to index
        %parallel_loop3A_413 = arith.index_cast %parallel_loop3A_411 : i32 to index
        %parallel_loop3A_414 = arith.index_cast %parallel_loop3A_334 : i32 to index
        %parallel_loop3A_415 = tpu.vector_load %arg7[%parallel_loop3A_412, %parallel_loop3A_413, %parallel_loop3A_414] {strides = array<i32>} : memref<2x8x4096xf32, #tpu.memory_space<vmem>>, vector<16xf32>,
        %parallel_loop3A_416 = arith.constant 112 : i32
        %parallel_loop3A_417 = vector.broadcast %parallel_loop3A_416 : i32 to vector<16xi32>
        %parallel_loop3A_418 = arith.addi %parallel_loop3A_342, %parallel_loop3A_417 : vector<16xi32>
        tpu.vector_store_idx %arg8[%parallel_loop3A_418], %parallel_loop3A_415 {add = true} : memref<2432xf32, #tpu.memory_space<vmem>>[vector<16xi32>], vector<16xf32>,
      } {sc.loop_unroll_factor = 2 : i64, sc.parallel_access}
      %add3A_325 = arith.constant 2 : i32
      %add3A_326 = arith.addi %add3A_289, %add3A_325 : i32
      %lt3A_327 = arith.constant 8 : i32
      %lt3A_328 = arith.cmpi slt, %add3A_326, %lt3A_327 : i32
      %convert_element_type3A_329 = arith.extui %lt3A_328 : i1 to i32
      %cond3A_330 = arith.constant 0 : i32
      %cond3A_331 = arith.cmpi ne, %convert_element_type3A_329, %cond3A_330 : i32
      scf.if %cond3A_331 {
        %add3A_332 = arith.constant 2 : i32
        %add3A_333 = arith.addi %add3A_289, %add3A_332 : i32
        %div3A_334 = arith.constant 4 : i32
        %div3A_335 = arith.divsi %add3A_333, %div3A_334 : i32
        %add3A_336 = arith.constant 6 : i32
        %add3A_337 = arith.addi %add3A_336, %div3A_335 : i32
        %rem3A_338 = arith.constant 4 : i32
        %rem3A_339 = arith.remsi %add3A_333, %rem3A_338 : i32
        %mul3A_340 = arith.constant 4096 : i32
        %mul3A_341 = arith.muli %rem3A_339, %mul3A_340 : i32
        %dma_start3A_342 = arith.constant 1 : i32
        %dma_start3A_343 = arith.constant 0 : i32
        %dma_start3A_344 = arith.constant 0 : i32
        %dma_start3A_345 = tpu.memref_slice %arg7[%dma_start3A_342, %dma_start3A_343, %dma_start3A_344] : memref<2x8x4096xf32, #tpu.memory_space<vmem>> -> memref<1x8x4096xf32, #tpu.memory_space<vmem>>
        %dma_start3A_346 = tpu.memref_squeeze %dma_start3A_345 : memref<1x8x4096xf32, #tpu.memory_space<vmem>> -> memref<8x4096xf32, #tpu.memory_space<vmem>>
        %dma_start3A_347 = tpu.memref_slice %arg2[%add3A_337, %mul3A_2, %mul3A_341] : memref<8x256x16384xf32, #tpu.memory_space<hbm>> -> memref<1x8x4096xf32, #tpu.memory_space<hbm>>
        %dma_start3A_348 = tpu.memref_squeeze %dma_start3A_347 : memref<1x8x4096xf32, #tpu.memory_space<hbm>> -> memref<8x4096xf32, #tpu.memory_space<hbm>>
        %dma_start3A_349 = arith.constant 0 : i32
        %dma_start3A_350 = arith.constant 0 : i32
        %dma_start3A_351 = tpu.memref_slice %arg7[%dma_start3A_342, %dma_start3A_349, %dma_start3A_350] : memref<2x8x4096xf32, #tpu.memory_space<vmem>> -> memref<1x8x4096xf32, #tpu.memory_space<vmem>>
        %dma_start3A_352 = tpu.memref_squeeze %dma_start3A_351 : memref<1x8x4096xf32, #tpu.memory_space<vmem>> -> memref<8x4096xf32, #tpu.memory_space<vmem>>
        %dma_start3A_353 = tpu.memref_slice %arg2[%add3A_337, %mul3A_2, %mul3A_341] : memref<8x256x16384xf32, #tpu.memory_space<hbm>> -> memref<1x8x4096xf32, #tpu.memory_space<hbm>>
        %dma_start3A_354 = tpu.memref_squeeze %dma_start3A_353 : memref<1x8x4096xf32, #tpu.memory_space<hbm>> -> memref<8x4096xf32, #tpu.memory_space<hbm>>
        tpu.enqueue_dma source(%dma_start3A_354 : memref<8x4096xf32, #tpu.memory_space<hbm>>) target(%dma_start3A_352 : memref<8x4096xf32, #tpu.memory_space<vmem>>) target_semaphore(%arg14 : memref<!tpu.dma_semaphore, #tpu.memory_space<semaphore_mem>>)
        %dma_start3A_355 = arith.constant 1 : i32
        %dma_start3A_356 = arith.constant 0 : i32
        %dma_start3A_357 = tpu.memref_slice %arg6[%dma_start3A_355, %dma_start3A_356] : memref<2x4096xi32, #tpu.memory_space<vmem>> -> memref<1x4096xi32, #tpu.memory_space<vmem>>
        %dma_start3A_358 = tpu.memref_squeeze %dma_start3A_357 : memref<1x4096xi32, #tpu.memory_space<vmem>> -> memref<4096xi32, #tpu.memory_space<vmem>>
        %dma_start3A_359 = tpu.memref_slice %arg3[%add3A_337, %mul3A_341] : memref<8x16384xi32, #tpu.memory_space<hbm>> -> memref<1x4096xi32, #tpu.memory_space<hbm>>
        %dma_start3A_360 = tpu.memref_squeeze %dma_start3A_359 : memref<1x4096xi32, #tpu.memory_space<hbm>> -> memref<4096xi32, #tpu.memory_space<hbm>>
        %dma_start3A_361 = arith.constant 0 : i32
        %dma_start3A_362 = tpu.memref_slice %arg6[%dma_start3A_355, %dma_start3A_361] : memref<2x4096xi32, #tpu.memory_space<vmem>> -> memref<1x4096xi32, #tpu.memory_space<vmem>>
        %dma_start3A_363 = tpu.memref_squeeze %dma_start3A_362 : memref<1x4096xi32, #tpu.memory_space<vmem>> -> memref<4096xi32, #tpu.memory_space<vmem>>
        %dma_start3A_364 = tpu.memref_slice %arg3[%add3A_337, %mul3A_341] : memref<8x16384xi32, #tpu.memory_space<hbm>> -> memref<1x4096xi32, #tpu.memory_space<hbm>>
        %dma_start3A_365 = tpu.memref_squeeze %dma_start3A_364 : memref<1x4096xi32, #tpu.memory_space<hbm>> -> memref<4096xi32, #tpu.memory_space<hbm>>
        tpu.enqueue_dma source(%dma_start3A_365 : memref<4096xi32, #tpu.memory_space<hbm>>) target(%dma_start3A_363 : memref<4096xi32, #tpu.memory_space<vmem>>) target_semaphore(%arg16 : memref<!tpu.dma_semaphore, #tpu.memory_space<semaphore_mem>>)
      } else {
      }
    }
    %scan3A_87 = arith.constant 4 : i32
    %eq3A = arith.constant 15 : i32
    %eq3A_88 = vector.broadcast %eq3A : i32 to vector<16xi32>
    %eq3A_89 = arith.cmpi eq, %iota3A, %eq3A_88 : vector<16xi32>
    %scan3A_90 = arith.constant 0 : i32
    %scan3A_91 = arith.constant 0 : i32
    %scan3A_92 = arith.constant 152 : i32
    %scan3A_93 = arith.addi %scan3A_91, %scan3A_92 : i32
    %scan3A_94 = arith.constant 1 : i32
    scf.for %scan3A_241 = %scan3A_91 to %scan3A_93 step %scan3A_94  : i32 {
      %mul3A_242 = arith.constant 16 : i32
      %mul3A_243 = arith.muli %scan3A_241, %mul3A_242 : i32
      %get3A_244 = arith.index_cast %mul3A_243 : i32 to index
      %get3A_245 = tpu.vector_load %arg8[%get3A_244] {strides = array<i32>} : memref<2432xf32, #tpu.memory_space<vmem>>, vector<16xf32>,
      %broadcast_in_dim3A_246 = arith.constant true
      %broadcast_in_dim3A_247 = vector.broadcast %broadcast_in_dim3A_246 : i1 to vector<16xi1>
      %masked_cumsum3A = tpu.scan <sum>, %get3A_245 masked %broadcast_in_dim3A_247 : vector<16xf32>, vector<16xi1> -> vector<16xf32>
      %mul3A_248 = arith.constant 0 : i32
      %mul3A_249 = vector.broadcast %mul3A_248 : i32 to vector<16xi32>
      %mul3A_250 = arith.muli %iota3A, %mul3A_249 : vector<16xi32>
      %add3A_251 = vector.broadcast %scan3A_241 : i32 to vector<16xi32>
      %add3A_252 = arith.addi %mul3A_250, %add3A_251 : vector<16xi32>
      tpu.vector_store_idx %arg10[%add3A_252], %masked_cumsum3A masked %eq3A_89 : memref<168xf32, #tpu.memory_space<vmem>>[vector<16xi32>], vector<16xf32>, vector<16xi1>
    }
    %scan3A_95 = arith.constant 152 : i32
    %scan3A_96 = arith.constant 0 : i32
    %scan3A_97 = arith.constant 0 : i32
    %scan3A_98 = arith.constant 19 : i32
    %scan3A_99 = arith.addi %scan3A_97, %scan3A_98 : i32
    %scan3A_100 = arith.constant 1 : i32
    scf.for %scan3A_241 = %scan3A_97 to %scan3A_99 step %scan3A_100  : i32 {
      %mul3A_242 = arith.constant 16 : i32
      %mul3A_243 = arith.muli %scan3A_241, %mul3A_242 : i32
      %get3A_244 = arith.index_cast %mul3A_243 : i32 to index
      %get3A_245 = tpu.vector_load %arg9[%get3A_244] {strides = array<i32>} : memref<304xf32, #tpu.memory_space<vmem>>, vector<16xf32>,
      %broadcast_in_dim3A_246 = arith.constant true
      %broadcast_in_dim3A_247 = vector.broadcast %broadcast_in_dim3A_246 : i1 to vector<16xi1>
      %masked_cumsum3A = tpu.scan <sum>, %get3A_245 masked %broadcast_in_dim3A_247 : vector<16xf32>, vector<16xi1> -> vector<16xf32>
      %mul3A_248 = arith.constant 0 : i32
      %mul3A_249 = vector.broadcast %mul3A_248 : i32 to vector<16xi32>
      %mul3A_250 = arith.muli %iota3A, %mul3A_249 : vector<16xi32>
      %add3A_251 = vector.broadcast %scan3A_241 : i32 to vector<16xi32>
      %add3A_252 = arith.addi %mul3A_250, %add3A_251 : vector<16xi32>
      tpu.vector_store_idx %arg11[%add3A_252], %masked_cumsum3A masked %eq3A_89 : memref<32xf32, #tpu.memory_space<vmem>>[vector<16xi32>], vector<16xf32>, vector<16xi1>
    }
    %scan3A_101 = arith.constant 19 : i32
    %add3A_102 = arith.constant 0 : i32
    %add3A_103 = vector.broadcast %add3A_102 : i32 to vector<16xi32>
    %add3A_104 = arith.addi %add3A_103, %iota3A : vector<16xi32>
    %shift_right_logical3A = arith.constant 3 : i32
    %shift_right_logical3A_105 = vector.broadcast %shift_right_logical3A : i32 to vector<16xi32>
    %shift_right_logical3A_106 = arith.shrui %add3A_104, %shift_right_logical3A_105 : vector<16xi32>
    %and3A = arith.constant 7 : i32
    %and3A_107 = vector.broadcast %and3A : i32 to vector<16xi32>
    %and3A_108 = arith.andi %add3A_104, %and3A_107 : vector<16xi32>
    %lt3A = arith.constant 19 : i32
    %lt3A_109 = vector.broadcast %lt3A : i32 to vector<16xi32>
    %lt3A_110 = arith.cmpi slt, %shift_right_logical3A_106, %lt3A_109 : vector<16xi32>
    %get3A = arith.constant 0 : index
    %get3A_111 = tpu.vector_load %arg10[%get3A] {strides = array<i32>} : memref<168xf32, #tpu.memory_space<vmem>>, vector<16xf32>,
    tpu.vector_store_idx %arg12[%and3A_108, %shift_right_logical3A_106], %get3A_111 masked %lt3A_110 : memref<8x19xf32, #tpu.memory_space<vmem>>[vector<16xi32>, vector<16xi32>], vector<16xf32>, vector<16xi1>
    %add3A_112 = arith.constant 16 : i32
    %add3A_113 = vector.broadcast %add3A_112 : i32 to vector<16xi32>
    %add3A_114 = arith.addi %add3A_113, %iota3A : vector<16xi32>
    %shift_right_logical3A_115 = arith.constant 3 : i32
    %shift_right_logical3A_116 = vector.broadcast %shift_right_logical3A_115 : i32 to vector<16xi32>
    %shift_right_logical3A_117 = arith.shrui %add3A_114, %shift_right_logical3A_116 : vector<16xi32>
    %and3A_118 = arith.constant 7 : i32
    %and3A_119 = vector.broadcast %and3A_118 : i32 to vector<16xi32>
    %and3A_120 = arith.andi %add3A_114, %and3A_119 : vector<16xi32>
    %lt3A_121 = arith.constant 19 : i32
    %lt3A_122 = vector.broadcast %lt3A_121 : i32 to vector<16xi32>
    %lt3A_123 = arith.cmpi slt, %shift_right_logical3A_117, %lt3A_122 : vector<16xi32>
    %get3A_124 = arith.constant 16 : index
    %get3A_125 = tpu.vector_load %arg10[%get3A_124] {strides = array<i32>} : memref<168xf32, #tpu.memory_space<vmem>>, vector<16xf32>,
    tpu.vector_store_idx %arg12[%and3A_120, %shift_right_logical3A_117], %get3A_125 masked %lt3A_123 : memref<8x19xf32, #tpu.memory_space<vmem>>[vector<16xi32>, vector<16xi32>], vector<16xf32>, vector<16xi1>
    %add3A_126 = arith.constant 32 : i32
    %add3A_127 = vector.broadcast %add3A_126 : i32 to vector<16xi32>
    %add3A_128 = arith.addi %add3A_127, %iota3A : vector<16xi32>
    %shift_right_logical3A_129 = arith.constant 3 : i32
    %shift_right_logical3A_130 = vector.broadcast %shift_right_logical3A_129 : i32 to vector<16xi32>
    %shift_right_logical3A_131 = arith.shrui %add3A_128, %shift_right_logical3A_130 : vector<16xi32>
    %and3A_132 = arith.constant 7 : i32
    %and3A_133 = vector.broadcast %and3A_132 : i32 to vector<16xi32>
    %and3A_134 = arith.andi %add3A_128, %and3A_133 : vector<16xi32>
    %lt3A_135 = arith.constant 19 : i32
    %lt3A_136 = vector.broadcast %lt3A_135 : i32 to vector<16xi32>
    %lt3A_137 = arith.cmpi slt, %shift_right_logical3A_131, %lt3A_136 : vector<16xi32>
    %get3A_138 = arith.constant 32 : index
    %get3A_139 = tpu.vector_load %arg10[%get3A_138] {strides = array<i32>} : memref<168xf32, #tpu.memory_space<vmem>>, vector<16xf32>,
    tpu.vector_store_idx %arg12[%and3A_134, %shift_right_logical3A_131], %get3A_139 masked %lt3A_137 : memref<8x19xf32, #tpu.memory_space<vmem>>[vector<16xi32>, vector<16xi32>], vector<16xf32>, vector<16xi1>
    %add3A_140 = arith.constant 48 : i32
    %add3A_141 = vector.broadcast %add3A_140 : i32 to vector<16xi32>
    %add3A_142 = arith.addi %add3A_141, %iota3A : vector<16xi32>
    %shift_right_logical3A_143 = arith.constant 3 : i32
    %shift_right_logical3A_144 = vector.broadcast %shift_right_logical3A_143 : i32 to vector<16xi32>
    %shift_right_logical3A_145 = arith.shrui %add3A_142, %shift_right_logical3A_144 : vector<16xi32>
    %and3A_146 = arith.constant 7 : i32
    %and3A_147 = vector.broadcast %and3A_146 : i32 to vector<16xi32>
    %and3A_148 = arith.andi %add3A_142, %and3A_147 : vector<16xi32>
    %lt3A_149 = arith.constant 19 : i32
    %lt3A_150 = vector.broadcast %lt3A_149 : i32 to vector<16xi32>
    %lt3A_151 = arith.cmpi slt, %shift_right_logical3A_145, %lt3A_150 : vector<16xi32>
    %get3A_152 = arith.constant 48 : index
    %get3A_153 = tpu.vector_load %arg10[%get3A_152] {strides = array<i32>} : memref<168xf32, #tpu.memory_space<vmem>>, vector<16xf32>,
    tpu.vector_store_idx %arg12[%and3A_148, %shift_right_logical3A_145], %get3A_153 masked %lt3A_151 : memref<8x19xf32, #tpu.memory_space<vmem>>[vector<16xi32>, vector<16xi32>], vector<16xf32>, vector<16xi1>
    %add3A_154 = arith.constant 64 : i32
    %add3A_155 = vector.broadcast %add3A_154 : i32 to vector<16xi32>
    %add3A_156 = arith.addi %add3A_155, %iota3A : vector<16xi32>
    %shift_right_logical3A_157 = arith.constant 3 : i32
    %shift_right_logical3A_158 = vector.broadcast %shift_right_logical3A_157 : i32 to vector<16xi32>
    %shift_right_logical3A_159 = arith.shrui %add3A_156, %shift_right_logical3A_158 : vector<16xi32>
    %and3A_160 = arith.constant 7 : i32
    %and3A_161 = vector.broadcast %and3A_160 : i32 to vector<16xi32>
    %and3A_162 = arith.andi %add3A_156, %and3A_161 : vector<16xi32>
    %lt3A_163 = arith.constant 19 : i32
    %lt3A_164 = vector.broadcast %lt3A_163 : i32 to vector<16xi32>
    %lt3A_165 = arith.cmpi slt, %shift_right_logical3A_159, %lt3A_164 : vector<16xi32>
    %get3A_166 = arith.constant 64 : index
    %get3A_167 = tpu.vector_load %arg10[%get3A_166] {strides = array<i32>} : memref<168xf32, #tpu.memory_space<vmem>>, vector<16xf32>,
    tpu.vector_store_idx %arg12[%and3A_162, %shift_right_logical3A_159], %get3A_167 masked %lt3A_165 : memref<8x19xf32, #tpu.memory_space<vmem>>[vector<16xi32>, vector<16xi32>], vector<16xf32>, vector<16xi1>
    %add3A_168 = arith.constant 80 : i32
    %add3A_169 = vector.broadcast %add3A_168 : i32 to vector<16xi32>
    %add3A_170 = arith.addi %add3A_169, %iota3A : vector<16xi32>
    %shift_right_logical3A_171 = arith.constant 3 : i32
    %shift_right_logical3A_172 = vector.broadcast %shift_right_logical3A_171 : i32 to vector<16xi32>
    %shift_right_logical3A_173 = arith.shrui %add3A_170, %shift_right_logical3A_172 : vector<16xi32>
    %and3A_174 = arith.constant 7 : i32
    %and3A_175 = vector.broadcast %and3A_174 : i32 to vector<16xi32>
    %and3A_176 = arith.andi %add3A_170, %and3A_175 : vector<16xi32>
    %lt3A_177 = arith.constant 19 : i32
    %lt3A_178 = vector.broadcast %lt3A_177 : i32 to vector<16xi32>
    %lt3A_179 = arith.cmpi slt, %shift_right_logical3A_173, %lt3A_178 : vector<16xi32>
    %get3A_180 = arith.constant 80 : index
    %get3A_181 = tpu.vector_load %arg10[%get3A_180] {strides = array<i32>} : memref<168xf32, #tpu.memory_space<vmem>>, vector<16xf32>,
    tpu.vector_store_idx %arg12[%and3A_176, %shift_right_logical3A_173], %get3A_181 masked %lt3A_179 : memref<8x19xf32, #tpu.memory_space<vmem>>[vector<16xi32>, vector<16xi32>], vector<16xf32>, vector<16xi1>
    %add3A_182 = arith.constant 96 : i32
    %add3A_183 = vector.broadcast %add3A_182 : i32 to vector<16xi32>
    %add3A_184 = arith.addi %add3A_183, %iota3A : vector<16xi32>
    %shift_right_logical3A_185 = arith.constant 3 : i32
    %shift_right_logical3A_186 = vector.broadcast %shift_right_logical3A_185 : i32 to vector<16xi32>
    %shift_right_logical3A_187 = arith.shrui %add3A_184, %shift_right_logical3A_186 : vector<16xi32>
    %and3A_188 = arith.constant 7 : i32
    %and3A_189 = vector.broadcast %and3A_188 : i32 to vector<16xi32>
    %and3A_190 = arith.andi %add3A_184, %and3A_189 : vector<16xi32>
    %lt3A_191 = arith.constant 19 : i32
    %lt3A_192 = vector.broadcast %lt3A_191 : i32 to vector<16xi32>
    %lt3A_193 = arith.cmpi slt, %shift_right_logical3A_187, %lt3A_192 : vector<16xi32>
    %get3A_194 = arith.constant 96 : index
    %get3A_195 = tpu.vector_load %arg10[%get3A_194] {strides = array<i32>} : memref<168xf32, #tpu.memory_space<vmem>>, vector<16xf32>,
    tpu.vector_store_idx %arg12[%and3A_190, %shift_right_logical3A_187], %get3A_195 masked %lt3A_193 : memref<8x19xf32, #tpu.memory_space<vmem>>[vector<16xi32>, vector<16xi32>], vector<16xf32>, vector<16xi1>
    %add3A_196 = arith.constant 112 : i32
    %add3A_197 = vector.broadcast %add3A_196 : i32 to vector<16xi32>
    %add3A_198 = arith.addi %add3A_197, %iota3A : vector<16xi32>
    %shift_right_logical3A_199 = arith.constant 3 : i32
    %shift_right_logical3A_200 = vector.broadcast %shift_right_logical3A_199 : i32 to vector<16xi32>
    %shift_right_logical3A_201 = arith.shrui %add3A_198, %shift_right_logical3A_200 : vector<16xi32>
    %and3A_202 = arith.constant 7 : i32
    %and3A_203 = vector.broadcast %and3A_202 : i32 to vector<16xi32>
    %and3A_204 = arith.andi %add3A_198, %and3A_203 : vector<16xi32>
    %lt3A_205 = arith.constant 19 : i32
    %lt3A_206 = vector.broadcast %lt3A_205 : i32 to vector<16xi32>
    %lt3A_207 = arith.cmpi slt, %shift_right_logical3A_201, %lt3A_206 : vector<16xi32>
    %get3A_208 = arith.constant 112 : index
    %get3A_209 = tpu.vector_load %arg10[%get3A_208] {strides = array<i32>} : memref<168xf32, #tpu.memory_space<vmem>>, vector<16xf32>,
    tpu.vector_store_idx %arg12[%and3A_204, %shift_right_logical3A_201], %get3A_209 masked %lt3A_207 : memref<8x19xf32, #tpu.memory_space<vmem>>[vector<16xi32>, vector<16xi32>], vector<16xf32>, vector<16xi1>
    %add3A_210 = arith.constant 128 : i32
    %add3A_211 = vector.broadcast %add3A_210 : i32 to vector<16xi32>
    %add3A_212 = arith.addi %add3A_211, %iota3A : vector<16xi32>
    %shift_right_logical3A_213 = arith.constant 3 : i32
    %shift_right_logical3A_214 = vector.broadcast %shift_right_logical3A_213 : i32 to vector<16xi32>
    %shift_right_logical3A_215 = arith.shrui %add3A_212, %shift_right_logical3A_214 : vector<16xi32>
    %and3A_216 = arith.constant 7 : i32
    %and3A_217 = vector.broadcast %and3A_216 : i32 to vector<16xi32>
    %and3A_218 = arith.andi %add3A_212, %and3A_217 : vector<16xi32>
    %lt3A_219 = arith.constant 19 : i32
    %lt3A_220 = vector.broadcast %lt3A_219 : i32 to vector<16xi32>
    %lt3A_221 = arith.cmpi slt, %shift_right_logical3A_215, %lt3A_220 : vector<16xi32>
    %get3A_222 = arith.constant 128 : index
    %get3A_223 = tpu.vector_load %arg10[%get3A_222] {strides = array<i32>} : memref<168xf32, #tpu.memory_space<vmem>>, vector<16xf32>,
    tpu.vector_store_idx %arg12[%and3A_218, %shift_right_logical3A_215], %get3A_223 masked %lt3A_221 : memref<8x19xf32, #tpu.memory_space<vmem>>[vector<16xi32>, vector<16xi32>], vector<16xf32>, vector<16xi1>
    %add3A_224 = arith.constant 144 : i32
    %add3A_225 = vector.broadcast %add3A_224 : i32 to vector<16xi32>
    %add3A_226 = arith.addi %add3A_225, %iota3A : vector<16xi32>
    %shift_right_logical3A_227 = arith.constant 3 : i32
    %shift_right_logical3A_228 = vector.broadcast %shift_right_logical3A_227 : i32 to vector<16xi32>
    %shift_right_logical3A_229 = arith.shrui %add3A_226, %shift_right_logical3A_228 : vector<16xi32>
    %and3A_230 = arith.constant 7 : i32
    %and3A_231 = vector.broadcast %and3A_230 : i32 to vector<16xi32>
    %and3A_232 = arith.andi %add3A_226, %and3A_231 : vector<16xi32>
    %lt3A_233 = arith.constant 19 : i32
    %lt3A_234 = vector.broadcast %lt3A_233 : i32 to vector<16xi32>
    %lt3A_235 = arith.cmpi slt, %shift_right_logical3A_229, %lt3A_234 : vector<16xi32>
    %get3A_236 = arith.constant 144 : index
    %get3A_237 = tpu.vector_load %arg10[%get3A_236] {strides = array<i32>} : memref<168xf32, #tpu.memory_space<vmem>>, vector<16xf32>,
    tpu.vector_store_idx %arg12[%and3A_232, %shift_right_logical3A_229], %get3A_237 masked %lt3A_235 : memref<8x19xf32, #tpu.memory_space<vmem>>[vector<16xi32>, vector<16xi32>], vector<16xf32>, vector<16xi1>
    "tpu.region"() ({
      %run_scoped3A = tpu.sem_alloc : memref<!tpu.dma_semaphore, #tpu.memory_space<semaphore_mem>>
      %dma_start3A_241 = arith.constant 0 : i32
      %dma_start3A_242 = tpu.memref_slice %arg4[%mul3A_2, %dma_start3A_241] : memref<256x19xf32, #tpu.memory_space<hbm>> -> memref<8x19xf32, #tpu.memory_space<hbm>>
      %dma_start3A_243 = arith.constant 0 : i32
      %dma_start3A_244 = tpu.memref_slice %arg4[%mul3A_2, %dma_start3A_243] : memref<256x19xf32, #tpu.memory_space<hbm>> -> memref<8x19xf32, #tpu.memory_space<hbm>>
      tpu.enqueue_dma source(%arg12 : memref<8x19xf32, #tpu.memory_space<vmem>>) target(%dma_start3A_244 : memref<8x19xf32, #tpu.memory_space<hbm>>) target_semaphore(%run_scoped3A : memref<!tpu.dma_semaphore, #tpu.memory_space<semaphore_mem>>)
      %dma_wait3A = arith.constant 0 : i32
      %dma_wait3A_245 = tpu.memref_slice %arg4[%mul3A_2, %dma_wait3A] : memref<256x19xf32, #tpu.memory_space<hbm>> -> memref<8x19xf32, #tpu.memory_space<hbm>>
      %dma_wait3A_246 = arith.constant 0 : i32
      %dma_wait3A_247 = tpu.memref_slice %arg4[%mul3A_2, %dma_wait3A_246] : memref<256x19xf32, #tpu.memory_space<hbm>> -> memref<8x19xf32, #tpu.memory_space<hbm>>
      tpu.wait_dma2 semaphore(%run_scoped3A : memref<!tpu.dma_semaphore, #tpu.memory_space<semaphore_mem>>) src(%arg12 : memref<8x19xf32, #tpu.memory_space<vmem>>) dst(%dma_wait3A_247 : memref<8x19xf32, #tpu.memory_space<hbm>>)
      tpu.yield
    }) : () -> ()
    %eq3A_238 = arith.constant 0 : i32
    %eq3A_239 = arith.cmpi eq, %add3A, %eq3A_238 : i32
    %convert_element_type3A = arith.extui %eq3A_239 : i1 to i32
    %cond3A = arith.constant 0 : i32
    %cond3A_240 = arith.cmpi ne, %convert_element_type3A, %cond3A : i32
    scf.if %cond3A_240 {
      "tpu.region"() ({
        %run_scoped3A = tpu.sem_alloc : memref<!tpu.dma_semaphore, #tpu.memory_space<semaphore_mem>>
        tpu.enqueue_dma source(%arg11 : memref<32xf32, #tpu.memory_space<vmem>>) target(%arg5 : memref<32xf32, #tpu.memory_space<hbm>>) target_semaphore(%run_scoped3A : memref<!tpu.dma_semaphore, #tpu.memory_space<semaphore_mem>>)
        tpu.wait_dma2 semaphore(%run_scoped3A : memref<!tpu.dma_semaphore, #tpu.memory_space<semaphore_mem>>) src(%arg11 : memref<32xf32, #tpu.memory_space<vmem>>) dst(%arg5 : memref<32xf32, #tpu.memory_space<hbm>>)
        tpu.yield
      }) : () -> ()
    } else {
    }
    return
  }
}

module attributes {stable_mosaic.version = 14 : i64} {
  func.func @_lambda_(%arg0: i32, %arg1: i32, %arg2: memref<1x256x8192xf32, #tpu.memory_space<vmem>>, %arg3: memref<1x1x8192xi32, #tpu.memory_space<vmem>>, %arg4: memref<256x19xf32, #tpu.memory_space<vmem>>, %arg5: memref<1x19xf32, #tpu.memory_space<vmem>>) attributes {dimension_semantics = [#tpu.dimension_semantics<arbitrary>, #tpu.dimension_semantics<arbitrary>], iteration_bounds = array<i64: 6, 2>, scalar_prefetch = 0 : i64, scratch_operands = 0 : i64, tpu.core_type = #tpu.core_type<tc>, window_params = [{transform_indices = @transform_0, window_bounds = array<i64: 1, 256, 8192>}, {transform_indices = @transform_1, window_bounds = array<i64: 1, 1, 8192>}, {pipeline_mode = #tpu.pipeline_mode<synchronous>, transform_indices = @transform_2, window_bounds = array<i64: 256, 19>}, {pipeline_mode = #tpu.pipeline_mode<synchronous>, transform_indices = @transform_3, window_bounds = array<i64: 1, 19>}]} {
    %get3A = arith.constant 0 : index
    %get3A_0 = arith.constant 0 : index
    %get3A_1 = arith.constant 0 : index
    %get3A_2 = vector.load %arg2[%get3A, %get3A_0, %get3A_1] : memref<1x256x8192xf32, #tpu.memory_space<vmem>>, vector<1x256x8192xf32>
    %get3A_3 = vector.shape_cast %get3A_2 : vector<1x256x8192xf32> to vector<256x8192xf32>
    %get3A_4 = arith.constant 0 : index
    %get3A_5 = arith.constant 0 : index
    %get3A_6 = arith.constant 0 : index
    %get3A_7 = vector.load %arg3[%get3A_4, %get3A_5, %get3A_6] : memref<1x1x8192xi32, #tpu.memory_space<vmem>>, vector<1x1x8192xi32>
    %get3A_8 = vector.shape_cast %get3A_7 : vector<1x1x8192xi32> to vector<1x8192xi32>
    %iota3A = tpu.iota {dimensions = array<i32: 0>} : vector<19x8192xi32>
    %eq3A = vector.broadcast %get3A_8 : vector<1x8192xi32> to vector<19x8192xi32>
    %eq3A_9 = arith.cmpi eq, %eq3A, %iota3A : vector<19x8192xi32>
    %convert_element_type3A = arith.extui %eq3A_9 : vector<19x8192xi1> to vector<19x8192xi32>
    %convert_element_type3A_10 = arith.sitofp %convert_element_type3A : vector<19x8192xi32> to vector<19x8192xf32>
    %dot_general3A = arith.constant dense<0.000000e+00> : vector<256x19xf32>
    %dot_general3A_11 = tpu.matmul %get3A_3, %convert_element_type3A_10, %dot_general3A {dimension_numbers = #tpu.dot_dimension_numbers<[1], [1], [0], [0], [0, 0, 1, 0], [], []>, transpose_lhs_hint = false} : vector<256x8192xf32>, vector<19x8192xf32>, vector<256x19xf32> -> vector<256x19xf32>
    %reduce_sum3A = arith.constant dense<0.000000e+00> : vector<19xf32>
    %reduce_sum3A_12 = vector.multi_reduction <add>, %convert_element_type3A_10, %reduce_sum3A [1] : vector<19x8192xf32> to vector<19xf32>
    %reshape3A = vector.shape_cast %reduce_sum3A_12 : vector<19xf32> to vector<1x19xf32>
    %eq3A_13 = arith.constant 0 : i32
    %eq3A_14 = arith.cmpi eq, %arg0, %eq3A_13 : i32
    %eq3A_15 = arith.constant 0 : i32
    %eq3A_16 = arith.cmpi eq, %arg1, %eq3A_15 : i32
    %and3A = arith.andi %eq3A_14, %eq3A_16 : i1
    %convert_element_type3A_17 = arith.extui %and3A : i1 to i32
    %cond3A = arith.constant 0 : i32
    %cond3A_18 = arith.cmpi ne, %convert_element_type3A_17, %cond3A : i32
    scf.if %cond3A_18 {
      %swap3A = arith.constant 0 : index
      %swap3A_25 = arith.constant 0 : index
      %swap3A_26 = vector.load %arg4[%swap3A, %swap3A_25] : memref<256x19xf32, #tpu.memory_space<vmem>>, vector<256x19xf32>
      tpu.vector_store %arg4[%swap3A, %swap3A_25], %dot_general3A_11 {strides = array<i32>} : memref<256x19xf32, #tpu.memory_space<vmem>>, vector<256x19xf32>,
      %swap3A_27 = arith.constant 0 : index
      %swap3A_28 = arith.constant 0 : index
      %swap3A_29 = vector.load %arg5[%swap3A_27, %swap3A_28] : memref<1x19xf32, #tpu.memory_space<vmem>>, vector<1x19xf32>
      tpu.vector_store %arg5[%swap3A_27, %swap3A_28], %reshape3A {strides = array<i32>} : memref<1x19xf32, #tpu.memory_space<vmem>>, vector<1x19xf32>,
    } else {
    }
    %gt3A = arith.constant 0 : i32
    %gt3A_19 = arith.cmpi sgt, %arg0, %gt3A : i32
    %gt3A_20 = arith.constant 0 : i32
    %gt3A_21 = arith.cmpi sgt, %arg1, %gt3A_20 : i32
    %or3A = arith.ori %gt3A_19, %gt3A_21 : i1
    %convert_element_type3A_22 = arith.extui %or3A : i1 to i32
    %cond3A_23 = arith.constant 0 : i32
    %cond3A_24 = arith.cmpi ne, %convert_element_type3A_22, %cond3A_23 : i32
    scf.if %cond3A_24 {
      %get3A_25 = arith.constant 0 : index
      %get3A_26 = arith.constant 0 : index
      %get3A_27 = vector.load %arg4[%get3A_25, %get3A_26] : memref<256x19xf32, #tpu.memory_space<vmem>>, vector<256x19xf32>
      %add3A = arith.addf %get3A_27, %dot_general3A_11 : vector<256x19xf32>
      %swap3A = arith.constant 0 : index
      %swap3A_28 = arith.constant 0 : index
      %swap3A_29 = vector.load %arg4[%swap3A, %swap3A_28] : memref<256x19xf32, #tpu.memory_space<vmem>>, vector<256x19xf32>
      tpu.vector_store %arg4[%swap3A, %swap3A_28], %add3A {strides = array<i32>} : memref<256x19xf32, #tpu.memory_space<vmem>>, vector<256x19xf32>,
      %get3A_30 = arith.constant 0 : index
      %get3A_31 = arith.constant 0 : index
      %get3A_32 = vector.load %arg5[%get3A_30, %get3A_31] : memref<1x19xf32, #tpu.memory_space<vmem>>, vector<1x19xf32>
      %add3A_33 = arith.addf %get3A_32, %reshape3A : vector<1x19xf32>
      %swap3A_34 = arith.constant 0 : index
      %swap3A_35 = arith.constant 0 : index
      %swap3A_36 = vector.load %arg5[%swap3A_34, %swap3A_35] : memref<1x19xf32, #tpu.memory_space<vmem>>, vector<1x19xf32>
      tpu.vector_store %arg5[%swap3A_34, %swap3A_35], %add3A_33 {strides = array<i32>} : memref<1x19xf32, #tpu.memory_space<vmem>>, vector<1x19xf32>,
    } else {
    }
    return
  }
  func.func @transform_0(%arg0: i32, %arg1: i32) -> (i32, i32, i32) {
    %c0_i32 = arith.constant 0 : i32
    %c0_i32_0 = arith.constant 0 : i32
    return %arg0, %c0_i32, %arg1 : i32, i32, i32
  }
  func.func @transform_1(%arg0: i32, %arg1: i32) -> (i32, i32, i32) {
    %mul3A = arith.constant 2 : i32
    %mul3A_0 = arith.muli %arg0, %mul3A : i32
    %add3A = arith.addi %mul3A_0, %arg1 : i32
    %c0_i32 = arith.constant 0 : i32
    %c0_i32_1 = arith.constant 0 : i32
    %c0_i32_2 = arith.constant 0 : i32
    return %add3A, %c0_i32, %c0_i32_1 : i32, i32, i32
  }
  func.func @transform_2(%arg0: i32, %arg1: i32) -> (i32, i32) {
    %c0_i32 = arith.constant 0 : i32
    %c0_i32_0 = arith.constant 0 : i32
    %c0_i32_1 = arith.constant 0 : i32
    return %c0_i32, %c0_i32_0 : i32, i32
  }
  func.func @transform_3(%arg0: i32, %arg1: i32) -> (i32, i32) {
    %c0_i32 = arith.constant 0 : i32
    %c0_i32_0 = arith.constant 0 : i32
    %c0_i32_1 = arith.constant 0 : i32
    return %c0_i32, %c0_i32_0 : i32, i32
  }
}

module attributes {stable_mosaic.version = 14 : i64} {
  func.func @_finalize_body(%arg0: memref<256x19xf32, #tpu.memory_space<vmem>>, %arg1: memref<1x19xf32, #tpu.memory_space<vmem>>, %arg2: memref<256x19xf32, #tpu.memory_space<vmem>>, %arg3: memref<1x32xf32, #tpu.memory_space<vmem>>, %arg4: memref<256x19xf32, #tpu.memory_space<vmem>>, %arg5: memref<1x19xf32, #tpu.memory_space<vmem>>) attributes {dimension_semantics = [], scalar_prefetch = 0 : i64, scratch_operands = 0 : i64, tpu.core_type = #tpu.core_type<tc>} {
    %get3A = arith.constant 0 : index
    %get3A_0 = arith.constant 0 : index
    %get3A_1 = vector.load %arg0[%get3A, %get3A_0] : memref<256x19xf32, #tpu.memory_space<vmem>>, vector<256x19xf32>
    %get3A_2 = arith.constant 0 : index
    %get3A_3 = arith.constant 0 : index
    %get3A_4 = vector.load %arg2[%get3A_2, %get3A_3] : memref<256x19xf32, #tpu.memory_space<vmem>>, vector<256x19xf32>
    %add3A = arith.addf %get3A_1, %get3A_4 : vector<256x19xf32>
    %get3A_5 = arith.constant 0 : index
    %get3A_6 = arith.constant 0 : index
    %get3A_7 = vector.load %arg1[%get3A_5, %get3A_6] : memref<1x19xf32, #tpu.memory_space<vmem>>, vector<1x19xf32>
    %get3A_8 = arith.constant 0 : index
    %get3A_9 = arith.constant 0 : index
    %get3A_10 = vector.load %arg3[%get3A_8, %get3A_9] : memref<1x32xf32, #tpu.memory_space<vmem>>, vector<1x19xf32>
    %get3A_11 = vector.shape_cast %get3A_10 : vector<1x19xf32> to vector<19xf32>
    %reshape3A = vector.shape_cast %get3A_11 : vector<19xf32> to vector<1x19xf32>
    %add3A_12 = arith.addf %get3A_7, %reshape3A : vector<1x19xf32>
    %max3A = arith.constant 1.000000e+00 : f32
    %max3A_13 = vector.broadcast %max3A : f32 to vector<1x19xf32>
    %max3A_14 = arith.maximumf %add3A_12, %max3A_13 : vector<1x19xf32>
    %gt3A = arith.constant 0.000000e+00 : f32
    %gt3A_15 = vector.broadcast %gt3A : f32 to vector<1x19xf32>
    %gt3A_16 = arith.cmpf ogt, %add3A_12, %gt3A_15 : vector<1x19xf32>
    %div3A = vector.broadcast %max3A_14 : vector<1x19xf32> to vector<256x19xf32>
    %div3A_17 = arith.divf %add3A, %div3A : vector<256x19xf32>
    %broadcast_in_dim3A = arith.constant 0.000000e+00 : f32
    %broadcast_in_dim3A_18 = vector.broadcast %broadcast_in_dim3A : f32 to vector<256x19xf32>
    %broadcast_in_dim3A_19 = vector.shape_cast %gt3A_16 : vector<1x19xi1> to vector<1x19xi1>
    %broadcast_in_dim3A_20 = vector.broadcast %broadcast_in_dim3A_19 : vector<1x19xi1> to vector<256x19xi1>
    %select_n3A = arith.select %broadcast_in_dim3A_20, %div3A_17, %broadcast_in_dim3A_18 : vector<256x19xi1>, vector<256x19xf32>
    %swap3A = arith.constant 0 : index
    %swap3A_21 = arith.constant 0 : index
    %swap3A_22 = vector.load %arg4[%swap3A, %swap3A_21] : memref<256x19xf32, #tpu.memory_space<vmem>>, vector<256x19xf32>
    tpu.vector_store %arg4[%swap3A, %swap3A_21], %select_n3A {strides = array<i32>} : memref<256x19xf32, #tpu.memory_space<vmem>>, vector<256x19xf32>,
    %swap3A_23 = arith.constant 0 : index
    %swap3A_24 = arith.constant 0 : index
    %swap3A_25 = vector.load %arg5[%swap3A_23, %swap3A_24] : memref<1x19xf32, #tpu.memory_space<vmem>>, vector<1x19xf32>
    tpu.vector_store %arg5[%swap3A_23, %swap3A_24], %add3A_12 {strides = array<i32>} : memref<1x19xf32, #tpu.memory_space<vmem>>, vector<1x19xf32>,
    return
  }
}

</mosaic_0001>

<sc_bundles>
// kernel: kernel.5.cloned.1.call-start
scs
__scs_entry_jumppad:
0x0: {  	(pc) =	sbr.rel $0x88, $3  }
0x1: {  	(tag) =	ssettag $0x0;
	lr =	simm.s32 $0x1  }
0x2: {  	[smem:$0x3F9F] =	sst lr;
	_ =	strace $0xD0000000  }
0x3: {  	_ = 	snop  }
0x4: {  	_ = 	snop  }
0x5: {  	_ = 	snop  }
0x6: {  	_ = 	snop  }
0x7: {  	_ = 	snop  }
__scs_overlays_trampoline_lowered:
0x8: {  	[smem:$0x3FAE] =	sst s0  }
0x9: {  	[smem:$0x3FAF] =	sst s1  }
0xa: {  	[smem:$0x3FB0] =	sst s2  }
0xb: {  	[smem:$0x3FB1] =	sst s3  }
0xc: {  	[smem:$0x3FB2] =	sst s4  }
0xd: {  	[smem:$0x3FB3] =	sst s5  }
0xe: {  	[smem:$0x3FB4] =	sst s6  }
0xf: {  	[smem:$0x3FB5] =	sst s7  }
0x10: {  	[smem:$0x3FB6] =	sst s8  }
0x11: {  	[smem:$0x3FB7] =	sst s9;
	s0 =	simm.s32 @!p0 $0x0  }
0x12: {  	s1 =	sld [smem:$0x3F9D];
	s0 =	simm.s32 @p0 $0x1  }
0x13: {  	[smem:$0x3FB8] =	sst s0;
	s0 =	simm.s32 @!p1 $0x0  }
0x14: {  	s2 =	sld [smem:$0x3F9C];
	s0 =	simm.s32 @p1 $0x1  }
0x15: {  	[smem:$0x3FB9] =	sst s0;
	s0 =	simm.s32 @!p2 $0x0  }
0x16: {  	s3 =	sld [smem:$0x3FDB];
	s0 =	simm.s32 @p2 $0x1  }
0x17: {  	s4 =	simm.s32 $0x1BF5;
	[smem:$0x3FBB] =	sst s0  }
0x18: {  	s0 =	sld [smem:$0x3F9E];
	_ =	swait.ge [sflag:s4], $0x0  }
0x19: {  	s7 =	sld [smem:$0x3F9F]  }
0x1a: {  	s8 =	sadd.s32 $0xFFFFE003, lr  }
0x1b: {  	s9 =	sadd.s32 $0xFFFFFEF7, lr;
	s5 =	simm.s32 $0xFFFFFFFF;
	p2 =	slt.u32 s8, $0xFFFFF086  }
0x1c: {  	p1 =	slt.u32 s9, $0xF7A;
	s5 =	simm.s32 @!p2 $0x0  }
0x1d: {  	s5 =	simm.s32 @p1 $0x1;
	p0 =	seq.s32 s7, s2  }
0x1e: {  	s7 =	smul.u32 @!p0 $0xF7A, s2;
	p2 =	seq.s32 @!p0 s5, $0x0  }
0x1f: {  	s9 =	smul.u32 $0xF7A, s1;
	s8 =	simm.s32 @!p0 $0x1BF5;
	p2 =	por !p2, p0  }
0x20: {  	[sflag:s8] =	ssyncset.s32 @!p0 $0xFFFFF086;
	s6 =	sadd.s32 @!p0 s3, s7;
	s7 =	simm.s32 @!p0 $0x108  }
0x21: {  	s3 =	sadd.s32 s3, s9;
	s6 =	sadd.s32 @!p0 $0x88, s6;
	s7 =	simm.s32 @p2 $0x1082  }
0x22: {  	[simem:s7], [sflag:s8] =	dma.local @!p0 [hbm:s6], $0xF7A  }
0x23: {  	s9 =	sor.u32 $0xD0000000, s2;
	s6 =	simm.s32 $0x108;
	_ =	swait.ge @!p0 [sflag:s8], $0x0  }
0x24: {  	s3 =	sadd.s32 $0x88, s3;
	s6 =	simm.s32 @!p1 $0x1082;
	[sflag:s4] =	ssyncset.s32 $0xFFFFF086  }
0x25: {  	[simem:s6], [sflag:s4] =	dma.local [hbm:s3], $0xF7A  }
0x26: {  	[smem:$0x3F9F] =	sst s1;
	(tag) =	ssettag s2;
	_ =	strace s9  }
0x27: {  	s1 =	sld [smem:$0x3FAF]  }
0x28: {  	s2 =	sld [smem:$0x3FB0]  }
0x29: {  	s4 =	sld [smem:$0x3FB2]  }
0x2a: {  	p0 =	seq.s32 s5, $0x0;
	s5 =	sld [smem:$0x3FB3]  }
0x2b: {  	s6 =	sld [smem:$0x3FB4]  }
0x2c: {  	s7 =	sld [smem:$0x3FB5]  }
0x2d: {  	s3 =	simm.s32 $0x108;
	s8 =	sld [smem:$0x3FB6]  }
0x2e: {  	s3 =	simm.s32 @!p0 $0x1082;
	s9 =	sld [smem:$0x3FB7]  }
0x2f: {  	lr =	sadd.s32 s0, s3;
	s0 =	sld [smem:$0x3FAE]  }
0x30: {  	s3 =	sld [smem:$0x3FB1]  }
0x31: {  	[smem:$0x3FBA] =	sst s10  }
0x32: {  	s10 =	sld [smem:$0x3FB8];
	_ =	sdelay $0x3  }
0x33: {  	p0 =	seq.s32 s10, $0x1;
	s10 =	sld [smem:$0x3FBA];
	_ =	sdelay $0x3  }
0x34: {  	[smem:$0x3FBA] =	sst s10  }
0x35: {  	s10 =	sld [smem:$0x3FB9];
	_ =	sdelay $0x3  }
0x36: {  	p1 =	seq.s32 s10, $0x1;
	s10 =	sld [smem:$0x3FBA];
	_ =	sdelay $0x3  }
0x37: {  	[smem:$0x3FBA] =	sst s10  }
0x38: {  	s10 =	sld [smem:$0x3FBB]  }
0x39: {  	_ = 	snop;
	(pc) =	sbr.ind lr, $3  }
0x3a: {  	_ = 	snop  }
0x3b: {  	_ = 	snop  }
0x3c: {  	p2 =	seq.s32 s10, $0x1;
	s10 =	sld [smem:$0x3FBA]  }
0x3d: {  	_ =	shalt  }
0x3e: {  	_ =	shalt  }
0x3f: {  	_ =	shalt  }
0x40: {  	_ =	shalt  }
0x41: {  	_ =	shalt  }
0x42: {  	_ =	shalt  }
0x43: {  	_ =	shalt  }
0x44: {  	_ =	shalt  }
0x45: {  	_ =	shalt  }
0x46: {  	_ =	shalt  }
0x47: {  	_ =	shalt  }
0x48: {  	_ =	shalt  }
0x49: {  	_ =	shalt  }
0x4a: {  	_ =	shalt  }
0x4b: {  	_ =	shalt  }
0x4c: {  	_ =	shalt  }
0x4d: {  	_ =	shalt  }
0x4e: {  	_ =	shalt  }
0x4f: {  	_ =	shalt  }
0x50: {  	_ =	shalt  }
0x51: {  	_ =	shalt  }
0x52: {  	_ =	shalt  }
0x53: {  	_ =	shalt  }
0x54: {  	_ =	shalt  }
0x55: {  	_ =	shalt  }
0x56: {  	_ =	shalt  }
0x57: {  	_ =	shalt  }
0x58: {  	_ =	shalt  }
0x59: {  	_ =	shalt  }
0x5a: {  	_ =	shalt  }
0x5b: {  	_ =	shalt  }
0x5c: {  	_ =	shalt  }
0x5d: {  	_ =	shalt  }
0x5e: {  	_ =	shalt  }
0x5f: {  	_ =	shalt  }
0x60: {  	_ =	shalt  }
0x61: {  	_ =	shalt  }
0x62: {  	_ =	shalt  }
0x63: {  	_ =	shalt  }
0x64: {  	_ =	shalt  }
0x65: {  	_ =	shalt  }
0x66: {  	_ =	shalt  }
0x67: {  	_ =	shalt  }
0x68: {  	_ =	shalt  }
0x69: {  	_ =	shalt  }
0x6a: {  	_ =	shalt  }
0x6b: {  	_ =	shalt  }
0x6c: {  	_ =	shalt  }
0x6d: {  	_ =	shalt  }
0x6e: {  	_ =	shalt  }
0x6f: {  	_ =	shalt  }
0x70: {  	_ =	shalt  }
0x71: {  	_ =	shalt  }
0x72: {  	_ =	shalt  }
0x73: {  	_ =	shalt  }
0x74: {  	_ =	shalt  }
0x75: {  	_ =	shalt  }
0x76: {  	_ =	shalt  }
0x77: {  	_ =	shalt  }
0x78: {  	_ =	shalt  }
0x79: {  	_ =	shalt  }
0x7a: {  	_ =	shalt  }
0x7b: {  	_ =	shalt  }
0x7c: {  	_ =	shalt  }
0x7d: {  	_ =	shalt  }
0x7e: {  	_ =	shalt  }
0x7f: {  	_ =	shalt  }
0x80: {  	_ =	shalt  }
0x81: {  	_ =	shalt  }
0x82: {  	_ =	shalt  }
0x83: {  	_ =	shalt  }
0x84: {  	_ =	shalt  }
0x85: {  	_ =	shalt  }
0x86: {  	_ =	shalt  }
0x87: {  	_ =	shalt  }
.Lfunc_end0:
.L_simem_size_0:
called_computation_lowered:
.L_overlay_start_0:
0x88: {  	s2 =	sld [smem:$0x3FD9]  }
0x89: {  	s3 =	sld [smem:$0x3FFE];
	_ =	sdelay $0x1  }
0x8a: {  	s1 =	srdreg.scid  }
0x8b: {  	s0 =	sand.u32 $0x1, s1  }
0x8c: {  	s14 =	sshll.u32 s0, $0xA;
	s2 =	sadd.s32 s3, s2  }
0x8d: {  	s2 =	sadd.s32 s2, s14  }
0x8e: {  	[smem:$0x3FC6] =	sst s2  }
0x8f: {  	_ = 	snop  }
0x90: {  	s2 =	sld [smem:$0x3FD0];
	_ =	sdelay $0x2  }
0x91: {  	s15 =	simm.s32 $0xA;
	s4 =	simm.s32 $0x10  }
0x92: {  	[smem:s4], [sflag:s15] =	dma.local [hbm:s2], $0x1  }
0x93: {  	_ =	swait.eq [sflag:s15], $0x1  }
0x94: {  	[sflag:s15] =	ssyncset.done $0x0  }
0x95: {  	[sflag:s15] =	ssyncadd.s32 $0xFFFFFFFF  }
0x96: {  	s16 =	sld [smem:$0x11];
	(tm) =	ssettm $0x1  }
0x97: {  	s17 =	sld [smem:$0x3FFB];
	_ =	sdelay $0x3  }
0x98: {  	_ =	strace s17  }
0x99: {  	s3 =	sld [smem:$0x3FFC];
	_ =	sdelay $0x3  }
0x9a: {  	_ =	strace s3  }
0x9b: {  	s3 =	sld [smem:$0x3FFD];
	_ =	sdelay $0x3  }
0x9c: {  	_ =	strace s3  }
0x9d: {  	_ =	strace $0x8FFFFFFF  }
0x9e: {  	s18 =	sld [smem:$0x3FDB];
	_ =	sdelay $0x1  }
0x9f: {  	s19 =	simm.s32 $_scs_section_size  }
0xa0: {  	s5 =	simm.s32 $_size__tile_overlayer_lowered;
	s6 =	simm.s32 $_tile_overlayer_lowered  }
0xa1: {  	s22 =	simm.s32 $0x1BFF;
	s21 =	sshll.u32 s6, $0x1;
	s3 =	sadd.s32 s19, s18  }
0xa2: {  	s7 =	simm.s32 $0x0;
	s20 =	sshll.u32 s5, $0x1;
	s5 =	sadd.s32 s21, s3  }
0xa3: {  	[timem:s7], [sflag:s22] =	dma.local [hbm:s5], s20  }
0xa4: {  	_ =	swait.ge [sflag:s22], s20  }
0xa5: {  	s4 =	ssub.s32 $0x0, s20;
	[sflag:s22] =	ssyncset.done $0x0  }
0xa6: {  	[sflag:s22] =	ssyncadd.s32 s4;
	_ =	sdelay $0x1  }
0xa7: {  	s23 =	simm.s32 $0x1B8B  }
0xa8: {  	_ =	swait.ge [sflag:s23], $0x1  }
0xa9: {  	[sflag:s23] =	ssyncset.done $0x0  }
0xaa: {  	s25 =	simm.s32 $0x1B8E;
	s24 =	sld [smem:$0x3FFE];
	[sflag:s23] =	ssyncadd.s32 $0xFFFFFFFF  }
0xab: {  	s26 =	simm.s32 $execute0_lowered;
	[smem:$0x3FD2] =	sst s25  }
0xac: {  	s5 =	sshll.u32 s26, $0x1;
	_ =	strace $0x80000046;
	[dreg:$0x1] =	wrdreg $0xFFFFFFFF  }
0xad: {  	s28 =	simm.s32 $_size_execute0_lowered;
	s3 =	sadd.s32 s3, s5;
	[dreg:$0x0] =	wrdreg $0x0  }
0xae: {  	s5 =	sshll.u32 s28, $0x1;
	[dreg:$0x2] =	wrdreg s3  }
0xaf: {  	[dreg:$0x3] =	wrdreg s5  }
0xb0: {  	[dreg:$0x4] =	wrdreg $0xC0  }
0xb1: {  	_ =	task [dreg:s7], $0x5FFFF  }
0xb2: {  	[dreg:$0x1] =	wrdreg $0xFFFFFFFF  }
0xb3: {  	[dreg:$0x0] =	wrdreg $0x60  }
0xb4: {  	[dreg:$0x2] =	wrdreg s24  }
0xb5: {  	[dreg:$0x3] =	wrdreg s16  }
0xb6: {  	[dreg:$0x4] =	wrdreg $0x9  }
0xb7: {  	_ =	task.clear_ibuf [dreg:s7], $0x5FFFF;
	_ =	strace $0x90000046  }
0xb8: {  	s29 =	simm.s32 $0x9;
	_ =	strace $0x80000048  }
0xb9: {  	_ =	swait.ge [sflag:s29], $0x1  }
0xba: {  	[sflag:s29] =	ssyncadd.s32 $0xFFFFFFFF  }
0xbb: {  	_ =	strace $0x90000048  }
0xbc: {  	_ =	sfence  }
0xbd: {  	s30 =	sld [smem:$0x0];
	_ =	sdelay $0x2  }
0xbe: {  	s31 =	sshll.u32 s1, $0xD;
	s1 =	sshrl.u32 s1, $0x2  }
0xbf: {  	s3 =	sand.u32 $0x4000, s31;
	s1 =	sadd.s32 s1, s30  }
0xc0: {  	s0 =	sor.u32 s3, s0;
	s1 =	sshll.u32 s1, $0x11  }
0xc1: {  	s0 =	sor.u32 s1, s0  }
0xc2: {  	s0 =	sadd.s32 $0x8F2B, s0  }
0xc3: {  	[sflag:s0] =	ssyncadd.remote.s32 $0x1  }
0xc4: {  	_ =	sfence.sel $0xFFFF  }
0xc5: {  	[dreg:$0x0] =	wrdreg $0xFFFFFFFF;
	(pc) =	sbr.abs _section_cstart, $3  }
0xc6: {  	[dreg:$0x1] =	wrdreg $0xFFFFFFFF  }
0xc7: {  	_ =	task.clear_ibuf [dreg:s7], $0x2FFFF;
	_ =	strace $0x9FFFFFFF  }
0xc8: {  	(tm) =	ssettm $0x7FFFFFFF  }
0xc9: {  	_ =	shalt  }
tec
execute0_lowered:
.L_overlay_start_1:
0x0: {  	(tag) =	ssettag $0x1  }
0x1: {  	v0 =	vimm.s32 $0x381;
	vm15 =	vcmask $0x300;
	vm14 =	vcmask $0x704  }
0x2: {  	vm13 =	vcmask $0xB08;
	vm12 =	vcmask $0xF0C;
	vm11 =	vcmask $0x1310  }
0x3: {  	vm10 =	vcmask $0x1714;
	vm9 =	vcmask $0x1B18;
	vm8 =	vcmask $0x1F1C  }
0x4: {  	vm7 =	vcmask $0x2320;
	vm6 =	vcmask $0x2724;
	vm5 =	vcmask $0x2B28  }
0x5: {  	vm4 =	vcmask $0x2F2C;
	vm3 =	vcmask $0x3330;
	vm2 =	vcmask $0x3734  }
0x6: {  	vm1 =	vcmask $0x3B38;
	vm0 =	vcmask $0x3F3C;
	v11 =	vimm.s32 $0x383  }
0x7: {  	v12 =	vimm.s32 $0x385;
	v13 =	vimm.s32 $0x387;
	v14 =	vimm.s32 $0x389  }
0x8: {  	v15 =	vimm.s32 $0x38B;
	v16 =	vimm.s32 $0x38D;
	v17 =	vimm.s32 $0x38F  }
0x9: {  	v18 =	vimm.s32 $0x391;
	v19 =	vimm.s32 $0x393;
	v0 =	vsel vm15, $0x0, v0  }
0xa: {  	v11 =	vsel vm15, $0x2, v11;
	v12 =	vsel vm15, $0x4, v12;
	v13 =	vsel vm15, $0x6, v13  }
0xb: {  	v14 =	vsel vm15, $0x8, v14;
	v15 =	vsel vm15, $0xA, v15;
	v16 =	vsel vm15, $0xC, v16  }
0xc: {  	v17 =	vsel vm15, $0xE, v17;
	v18 =	vsel vm15, $0x10, v18;
	v19 =	vsel vm15, $0x12, v19  }
0xd: {  	v0 =	vsel vm14, $0x80, v0;
	v11 =	vsel vm14, $0x82, v11;
	v12 =	vsel vm14, $0x84, v12  }
0xe: {  	v13 =	vsel vm14, $0x86, v13;
	v14 =	vsel vm14, $0x88, v14;
	v15 =	vsel vm14, $0x8A, v15  }
0xf: {  	v16 =	vsel vm14, $0x8C, v16;
	v17 =	vsel vm14, $0x8E, v17;
	v18 =	vsel vm14, $0x90, v18  }
0x10: {  	v19 =	vsel vm14, $0x92, v19;
	v0 =	vsel vm13, $0x100, v0;
	v11 =	vsel vm13, $0x102, v11  }
0x11: {  	v12 =	vsel vm13, $0x104, v12;
	v13 =	vsel vm13, $0x106, v13;
	v14 =	vsel vm13, $0x108, v14  }
0x12: {  	v15 =	vsel vm13, $0x10A, v15;
	v16 =	vsel vm13, $0x10C, v16;
	v17 =	vsel vm13, $0x10E, v17  }
0x13: {  	v18 =	vsel vm13, $0x110, v18;
	v19 =	vsel vm13, $0x112, v19;
	v0 =	vsel vm12, $0x180, v0  }
0x14: {  	v11 =	vsel vm12, $0x182, v11;
	v12 =	vsel vm12, $0x184, v12;
	v13 =	vsel vm12, $0x186, v13  }
0x15: {  	v14 =	vsel vm12, $0x188, v14;
	v15 =	vsel vm12, $0x18A, v15;
	v16 =	vsel vm12, $0x18C, v16  }
0x16: {  	v17 =	vsel vm12, $0x18E, v17;
	v18 =	vsel vm12, $0x190, v18;
	v19 =	vsel vm12, $0x192, v19  }
0x17: {  	v1 =	vsel vm11, $0x200, v0;
	v0 =	vimm.f32 $0.0e+00;
	v11 =	vsel vm11, $0x202, v11  }
0x18: {  	v12 =	vsel vm11, $0x204, v12;
	v13 =	vsel vm11, $0x206, v13;
	v14 =	vsel vm11, $0x208, v14  }
0x19: {  	v15 =	vsel vm11, $0x20A, v15;
	v16 =	vsel vm11, $0x20C, v16;
	v17 =	vsel vm11, $0x20E, v17  }
0x1a: {  	v18 =	vsel vm11, $0x210, v18;
	v19 =	vsel vm11, $0x212, v19;
	v2 =	vsel vm10, $0x280, v1  }
0x1b: {  	v1 =	vlaneseq.u32;
	v11 =	vsel vm10, $0x282, v11;
	v12 =	vsel vm10, $0x284, v12  }
0x1c: {  	v13 =	vsel vm10, $0x286, v13;
	v14 =	vsel vm10, $0x288, v14;
	v15 =	vsel vm10, $0x28A, v15  }
0x1d: {  	v16 =	vsel vm10, $0x28C, v16;
	v17 =	vsel vm10, $0x28E, v17;
	v18 =	vsel vm10, $0x290, v18  }
0x1e: {  	v19 =	vsel vm10, $0x292, v19;
	v3 =	vsel vm9, $0x300, v2;
	v2 =	vimm.f32 $1.000000000e+00  }
0x1f: {  	v11 =	vsel vm9, $0x302, v11;
	v12 =	vsel vm9, $0x304, v12;
	v13 =	vsel vm9, $0x306, v13  }
0x20: {  	v14 =	vsel vm9, $0x308, v14;
	v15 =	vsel vm9, $0x30A, v15;
	v16 =	vsel vm9, $0x30C, v16  }
0x21: {  	v17 =	vsel vm9, $0x30E, v17;
	v18 =	vsel vm9, $0x310, v18;
	v19 =	vsel vm9, $0x312, v19  }
0x22: {  	v4 =	vsel vm8, $0x380, v3;
	v3 =	vor.u32 $0x10, v1;
	v11 =	vsel vm8, $0x382, v11  }
0x23: {  	v12 =	vsel vm8, $0x384, v12;
	v13 =	vsel vm8, $0x386, v13;
	v14 =	vsel vm8, $0x388, v14  }
0x24: {  	v15 =	vsel vm8, $0x38A, v15;
	v16 =	vsel vm8, $0x38C, v16;
	v17 =	vsel vm8, $0x38E, v17  }
0x25: {  	v18 =	vsel vm8, $0x390, v18;
	v19 =	vsel vm8, $0x392, v19;
	v5 =	vsel vm7, $0x1, v4  }
0x26: {  	v4 =	vor.u32 $0x20, v1;
	v11 =	vsel vm7, $0x3, v11;
	v12 =	vsel vm7, $0x5, v12  }
0x27: {  	v13 =	vsel vm7, $0x7, v13;
	v14 =	vsel vm7, $0x9, v14;
	v15 =	vsel vm7, $0xB, v15  }
0x28: {  	v16 =	vsel vm7, $0xD, v16;
	v17 =	vsel vm7, $0xF, v17;
	v18 =	vsel vm7, $0x11, v18  }
0x29: {  	v19 =	vsel vm7, $0x13, v19;
	v6 =	vsel vm6, $0x81, v5;
	v5 =	vor.u32 $0x30, v1  }
0x2a: {  	v11 =	vsel vm6, $0x83, v11;
	v12 =	vsel vm6, $0x85, v12;
	v13 =	vsel vm6, $0x87, v13  }
0x2b: {  	v14 =	vsel vm6, $0x89, v14;
	v15 =	vsel vm6, $0x8B, v15;
	v16 =	vsel vm6, $0x8D, v16  }
0x2c: {  	v17 =	vsel vm6, $0x8F, v17;
	v18 =	vsel vm6, $0x91, v18;
	v19 =	vsel vm6, $0x93, v19  }
0x2d: {  	v7 =	vsel vm5, $0x101, v6;
	v6 =	vor.u32 $0x40, v1;
	v11 =	vsel vm5, $0x103, v11  }
0x2e: {  	v12 =	vsel vm5, $0x105, v12;
	v13 =	vsel vm5, $0x107, v13;
	v14 =	vsel vm5, $0x109, v14  }
0x2f: {  	v15 =	vsel vm5, $0x10B, v15;
	v16 =	vsel vm5, $0x10D, v16;
	v17 =	vsel vm5, $0x10F, v17  }
0x30: {  	v18 =	vsel vm5, $0x111, v18;
	v19 =	vsel vm5, $0x113, v19;
	v8 =	vsel vm4, $0x181, v7  }
0x31: {  	v7 =	vor.u32 $0x50, v1;
	v11 =	vsel vm4, $0x183, v11;
	v12 =	vsel vm4, $0x185, v12  }
0x32: {  	s0 =	rddreg [dreg:$0x0];
	s7 =	simm.s32 $0x0;
	s1 =	srdreg.scid;
	v13 =	vsel vm4, $0x187, v13;
	v14 =	vsel vm4, $0x189, v14;
	v15 =	vsel vm4, $0x18B, v15  }
0x33: {  	s2 =	stileid.u32;
	[smem:$0x7FF] =	sst s7;
	v16 =	vsel vm4, $0x18D, v16;
	v17 =	vsel vm4, $0x18F, v17;
	v18 =	vsel vm4, $0x191, v18  }
0x34: {  	s1 =	sand.u32 $0x1, s1;
	s2 =	sshll.u32 s2, $0x1;
	s4 =	sadd.s32 $0x401200, s0;
	v19 =	vsel vm4, $0x193, v19;
	v9 =	vsel vm3, $0x201, v8;
	v8 =	vor.u32 $0x60, v1  }
0x35: {  	s3 =	sadd.s32 $0x1200, s0;
	_ =	strace $0x80000047;
	[dreg:$0x4] =	wrdreg s4;
	v11 =	vsel vm3, $0x203, v11;
	v12 =	vsel vm3, $0x205, v12;
	v13 =	vsel vm3, $0x207, v13  }
0x36: {  	s2 =	sor.u32 s1, s2;
	s1 =	ssub.s32 $0x2, s1;
	[dreg:$0x3] =	wrdreg s3;
	v14 =	vsel vm3, $0x209, v14;
	v15 =	vsel vm3, $0x20B, v15;
	v16 =	vsel vm3, $0x20D, v16  }
0x37: {  	s26 =	sshll.u32 s2, $0x7;
	s5 =	sshll.u32 s2, $0xE;
	s6 =	sshll.u32 s2, $0x11;
	v17 =	vsel vm3, $0x20F, v17;
	v18 =	vsel vm3, $0x211, v18;
	v19 =	vsel vm3, $0x213, v19  }
0x38: {  	[dreg:$0x5] =	wrdreg s6;
	s5 =	sadd.s32 s5, s3;
	s3 =	sadd.s32 $0x401260, s0;
	v10 =	vsel vm2, $0x281, v9;
	v9 =	vor.u32 $0x70, v1;
	v11 =	vsel vm2, $0x283, v11  }
0x39: {  	s28 =	sshrl.u32 s1, $0x1;
	s8 =	sadd.s32 $0x300000, s5;
	[dreg:$0x6] =	wrdreg s3;
	v12 =	vsel vm2, $0x285, v12;
	v13 =	vsel vm2, $0x287, v13;
	v14 =	vsel vm2, $0x289, v14  }
0x3a: {  	s4 =	sadd.s32 s26, s0;
	s30 =	sadd.s32 $0x301000, s5;
	[dreg:$0x7] =	wrdreg s8;
	v15 =	vsel vm2, $0x28B, v15;
	v16 =	vsel vm2, $0x28D, v16;
	v17 =	vsel vm2, $0x28F, v17  }
0x3b: {  	s29 =	ssub.s32 s1, s28;
	s31 =	sadd.s32 $0x405200, s4;
	[dreg:$0x9] =	wrdreg s30;
	v18 =	vsel vm2, $0x291, v18;
	v19 =	vsel vm2, $0x293, v19;
	v10 =	vsel vm1, $0x301, v10  }
0x3c: {  	s8 =	sadd.s32 $0x402260, s0;
	[dreg:$0xa] =	wrdreg s31;
	s0 =	smax.u32 s29, $0x1;
	v11 =	vsel vm1, $0x303, v11;
	v12 =	vsel vm1, $0x305, v12;
	v13 =	vsel vm1, $0x307, v13  }
0x3d: {  	s9 =	simm.s32 $0x12980;
	s18 =	simm.s32 $0x12000;
	[dreg:$0xb] =	wrdreg s0;
	v14 =	vsel vm1, $0x309, v14;
	v15 =	vsel vm1, $0x30B, v15;
	v16 =	vsel vm1, $0x30D, v16  }
0x3e: {  	p0 =	sne.s32 s2, $0x0;
	s2 =	simm.s32 $0x0;
	[dreg:$0x8] =	wrdreg s8;
	v17 =	vsel vm1, $0x30F, v17;
	v18 =	vsel vm1, $0x311, v18;
	v19 =	vsel vm1, $0x313, v19  }
.LBB2_1:
0x3f: {  	[dreg:$0xc] =	wrdreg s2;
	s0 =	simm.s32 $0x40;
	s1 =	simm.s32 $0x0  }
.LBB2_2:
0x40: {  	p1 =	sne.s32 s0, $0x25C0;
	[tilespmem:s1+$0x12000] =	vst v0;
	s1 =	smov.u32 s0;
	s0 =	sadd.s32 $0x40, s0  }
.Ltmp0:
0x41: {  	(pc) =	sbr.rel @p1 .LBB2_2-.Ltmp0, $2  }
0x42: {  	_ =	sdelay $0x2  }
0x43: {  	s1 =	sshra.s32 s1, $0x2  }
0x44: {  	[tilespmem:s1+$0x12000] =	vst v0  }
0x45: {  	[tilespmem:$0x12980] =	vst v0  }
0x46: {  	[tilespmem:$0x12990] =	vst v0  }
0x47: {  	[tilespmem:$0x129A0] =	vst v0  }
0x48: {  	[tilespmem:$0x129B0] =	vst v0  }
0x49: {  	[tilespmem:$0x129C0] =	vst v0  }
0x4a: {  	[tilespmem:$0x129D0] =	vst v0  }
0x4b: {  	[tilespmem:$0x129E0] =	vst v0  }
0x4c: {  	[tilespmem:$0x129F0] =	vst v0  }
0x4d: {  	[tilespmem:$0x12A00] =	vst v0  }
0x4e: {  	[tilespmem:$0x12A10] =	vst v0  }
0x4f: {  	[tilespmem:$0x12A20] =	vst v0  }
0x50: {  	[tilespmem:$0x12A30] =	vst v0  }
0x51: {  	[tilespmem:$0x12A40] =	vst v0  }
0x52: {  	[tilespmem:$0x12A50] =	vst v0  }
0x53: {  	[tilespmem:$0x12A60] =	vst v0  }
0x54: {  	[tilespmem:$0x12A70] =	vst v0  }
0x55: {  	[tilespmem:$0x12A80] =	vst v0  }
0x56: {  	[tilespmem:$0x12A90] =	vst v0  }
0x57: {  	s0 =	simm.s32 $0x0;
	s31 =	rddreg [dreg:$0x7];
	s2 =	simm.s32 $0x2000;
	[tilespmem:$0x12AA0] =	vst v0  }
0x58: {  	[tilespmem:s2], [sflag:$0x1] =	stream.linear.gather [hbm4b:s31+s0], $0x8000, $0x38;
	[tilespmem:$0x13080] =	vst v63  }
0x59: {  	s1 =	simm.s32 $0x80;
	s4 =	sadd.s32 $0x0, s3;
	s2 =	simm.s32 $0x100  }
.LBB2_4:
0x5a: {  	[tilespmem:s0], [sflag:$0x3] =	stream.linear.gather [hbm4b:s4+s7], $0x80, $0x38;
	[tilespmem:$0x13080] =	vst v63  }
0x5b: {  	s4 =	smov.u32 s1;
	s0 =	smov.u32 s2;
	p1 =	sne.s32 s1, $0xF80  }
.Ltmp1:
0x5c: {  	s1 =	sadd.s32 $0x80, s1;
	(pc) =	sbr.rel @p1 .LBB2_4-.Ltmp1, $2  }
0x5d: {  	_ =	sdelay $0x2  }
0x5e: {  	s2 =	sadd.s32 $0x100, s2;
	s4 =	sadd.s32 s4, s3  }
0x5f: {  	[tilespmem:s0], [sflag:$0x3] =	stream.linear.gather [hbm4b:s4+s7], $0x80, $0x38;
	[tilespmem:$0x13080] =	vst v63  }
0x60: {  	s15 =	simm.s32 $0x0  }
0x61: {  	s31 =	rddreg [dreg:$0x9];
	s1 =	simm.s32 $0xA000;
	s0 =	simm.s32 $0x80  }
0x62: {  	[tilespmem:s1], [sflag:$0x2] =	stream.linear.gather [hbm4b:s31+s15], $0x8000, $0x38;
	[tilespmem:$0x13080] =	vst v63  }
0x63: {  	s4 =	sadd.s32 $0x0, s8;
	s2 =	simm.s32 $0x180;
	s1 =	simm.s32 $0x80  }
.LBB2_6:
0x64: {  	[tilespmem:s0], [sflag:$0x4] =	stream.linear.gather [hbm4b:s4+s15], $0x80, $0x38;
	[tilespmem:$0x13080] =	vst v63  }
0x65: {  	s4 =	smov.u32 s1;
	s0 =	smov.u32 s2;
	p1 =	sne.s32 s1, $0xF80  }
.Ltmp2:
0x66: {  	s1 =	sadd.s32 $0x80, s1;
	(pc) =	sbr.rel @p1 .LBB2_6-.Ltmp2, $2  }
0x67: {  	_ =	sdelay $0x2  }
0x68: {  	s2 =	sadd.s32 $0x100, s2;
	s4 =	sadd.s32 s4, s8  }
0x69: {  	[tilespmem:s0], [sflag:$0x4] =	stream.linear.gather [hbm4b:s4+s15], $0x80, $0x38;
	[tilespmem:$0x13080] =	vst v63  }
.LBB2_8:
0x6a: {  	s0 =	simm.s32 $0x1  }
0x6b: {  	_ =	swait.ge [sflag:s0], $0x8000  }
0x6c: {  	[sflag:s0] =	ssyncset.done $0x0  }
0x6d: {  	s28 =	simm.s32 $0x0;
	s3 =	simm.s32 $0x3;
	[sflag:s0] =	ssyncadd.s32 $0xFFFF8000  }
0x6e: {  	s1 =	sand.u32 $0x7C00, s28;
	s2 =	sand.u32 $0x60, s28;
	_ =	swait.ge [sflag:s3], $0x1000  }
0x6f: {  	s29 =	sshrl.u32 s1, $0x2;
	s4 =	sor.u32 $0x10, s2;
	[sflag:s3] =	ssyncset.done $0x0  }
0x70: {  	s5 =	sor.u32 s4, s29;
	[sflag:s3] =	ssyncadd.s32 $0xFFFFF000  }
0x71: {  	v20 =	vld [tilespmem:s5+$0x0]  }
0x72: {  	s0 =	sor.u32 s2, s29  }
0x73: {  	v21 =	vld [tilespmem:s0+$0x0];
	_ =	sdelay $0x2  }
0x74: {  	v22 =	vshll.u32 v20, $0x4  }
0x75: {  	v22 =	vor.u32 v1, v22  }
0x76: {  	v23 =	vshll.u32 v21, $0x4  }
0x77: {  	v23 =	vor.u32 v1, v23;
	_ =	sdelay $0x1  }
0x78: {  	s1 =	sadd.s32 $0x2000, s1  }
0x79: {  	s0 =	sor.u32 s4, s1;
	v20 =	vshll.u32 v20, $0x7;
	[tilespmem:v22+s9+$0x0] =	vst.idx.add.f32.msk $0xffff, v2  }
0x7a: {  	v24 =	vor.u32 v1, v20;
	v22 =	vld [tilespmem:s0+$0x0]  }
0x7b: {  	s1 =	sor.u32 s2, s1;
	v21 =	vshll.u32 v21, $0x7;
	[tilespmem:v23+s9+$0x0] =	vst.idx.add.f32.msk $0xffff, v2  }
0x7c: {  	v23 =	vor.u32 v1, v21;
	v25 =	vld [tilespmem:s1+$0x0];
	_ =	sdelay $0x2  }
0x7d: {  	[tilespmem:v24+s18+$0x0] =	vst.idx.add.f32.msk $0xffff, v22  }
0x7e: {  	v24 =	vor.u32 v3, v20;
	v22 =	vld [tilespmem:s0+$0x80]  }
0x7f: {  	[tilespmem:v23+s18+$0x0] =	vst.idx.add.f32.msk $0xffff, v25  }
0x80: {  	s30 =	simm.s32 $0x100;
	s2 =	simm.s32 $0x20;
	v25 =	vor.u32 v3, v21;
	v23 =	vld [tilespmem:s1+$0x80]  }
0x81: {  	s4 =	sand.u32 $0x7C00, s30;
	s31 =	sand.u32 $0x60, s2  }
0x82: {  	s6 =	sshrl.u32 s4, $0x2;
	s8 =	sor.u32 $0x10, s31  }
0x83: {  	s10 =	sor.u32 s8, s6;
	[tilespmem:v24+s18+$0x0] =	vst.idx.add.f32.msk $0xffff, v22  }
0x84: {  	v24 =	vld [tilespmem:s10+$0x0]  }
0x85: {  	[tilespmem:v25+s18+$0x0] =	vst.idx.add.f32.msk $0xffff, v23  }
0x86: {  	v26 =	vor.u32 v4, v20;
	v22 =	vld [tilespmem:s0+$0x100]  }
0x87: {  	v25 =	vor.u32 v4, v21;
	v23 =	vld [tilespmem:s1+$0x100]  }
0x88: {  	s6 =	sor.u32 s31, s6  }
0x89: {  	v27 =	vld [tilespmem:s6+$0x0]  }
0x8a: {  	v28 =	vshll.u32 v24, $0x4  }
0x8b: {  	[tilespmem:v26+s18+$0x0] =	vst.idx.add.f32.msk $0xffff, v22;
	v26 =	vor.u32 v1, v28  }
0x8c: {  	[tilespmem:v25+s18+$0x0] =	vst.idx.add.f32.msk $0xffff, v23  }
0x8d: {  	v25 =	vor.u32 v5, v20;
	v23 =	vld [tilespmem:s0+$0x180]  }
0x8e: {  	v29 =	vor.u32 v5, v21;
	v22 =	vshll.u32 v27, $0x4;
	v28 =	vld [tilespmem:s1+$0x180]  }
0x8f: {  	s4 =	sadd.s32 $0x2000, s4;
	v30 =	vor.u32 v1, v22  }
0x90: {  	s8 =	sor.u32 s8, s4;
	[tilespmem:v26+s9+$0x0] =	vst.idx.add.f32.msk $0xffff, v2  }
0x91: {  	v22 =	vshll.u32 v24, $0x7;
	v24 =	vld [tilespmem:s8+$0x0]  }
0x92: {  	v26 =	vor.u32 v1, v22;
	[tilespmem:v25+s18+$0x0] =	vst.idx.add.f32.msk $0xffff, v23  }
0x93: {  	[tilespmem:v29+s18+$0x0] =	vst.idx.add.f32.msk $0xffff, v28  }
0x94: {  	[tilespmem:v30+s9+$0x0] =	vst.idx.add.f32.msk $0xffff, v2  }
0x95: {  	s4 =	sor.u32 s31, s4;
	v28 =	vor.u32 v6, v21;
	v23 =	vshll.u32 v27, $0x7;
	v25 =	vld [tilespmem:s1+$0x200]  }
0x96: {  	v27 =	vld [tilespmem:s4+$0x0];
	v29 =	vor.u32 v1, v23  }
0x97: {  	[tilespmem:v26+s18+$0x0] =	vst.idx.add.f32.msk $0xffff, v24  }
0x98: {  	v24 =	vld [tilespmem:s0+$0x200];
	v26 =	vor.u32 v6, v20  }
0x99: {  	v63 =	vld [tilespmem:s8+$0x80]  }
0x9a: {  	[tilespmem:v28+s18+$0x0] =	vst.idx.add.f32.msk $0xffff, v25  }
0x9b: {  	v31 =	vor.u32 v3, v22;
	[tilespmem:v29+s18+$0x0] =	vst.idx.add.f32.msk $0xffff, v27  }
0x9c: {  	v28 =	vor.u32 v7, v21;
	v25 =	vld [tilespmem:s1+$0x280]  }
0x9d: {  	[tilespmem:v26+s18+$0x0] =	vst.idx.add.f32.msk $0xffff, v24  }
0x9e: {  	v29 =	vor.u32 v7, v20;
	v32 =	vld [tilespmem:s0+$0x280]  }
0x9f: {  	v26 =	vld [tilespmem:s4+$0x80]  }
0xa0: {  	v27 =	vor.u32 v3, v23;
	[tilespmem:v31+s18+$0x0] =	vst.idx.add.f32.msk $0xffff, v63  }
0xa1: {  	[tilespmem:v28+s18+$0x0] =	vst.idx.add.f32.msk $0xffff, v25  }
0xa2: {  	v25 =	vld [tilespmem:s8+$0x100]  }
0xa3: {  	s5 =	simm.s32 $0x2;
	s10 =	simm.s32 $0x200;
	v24 =	vor.u32 v4, v22;
	[tilespmem:v29+s18+$0x0] =	vst.idx.add.f32.msk $0xffff, v32  }
.LBB2_9:
0xa4: {  	s11 =	sand.u32 $0x7C00, s10;
	s5 =	sadd.s32 $0x2, s5;
	s2 =	sadd.s32 $0x20, s2;
	v28 =	vld [tilespmem:s1+$0x300]  }
0xa5: {  	s6 =	sand.u32 $0x60, s2;
	s12 =	sshrl.u32 s11, $0x2;
	p1 =	slt.u32 s5, $0xFE;
	[tilespmem:v27+s18+$0x0] =	vst.idx.add.f32.msk $0xffff, v26  }
0xa6: {  	v27 =	vor.u32 v8, v20;
	s13 =	sor.u32 s6, s12;
	s14 =	sor.u32 $0x10, s6;
	v26 =	vld [tilespmem:s0+$0x300]  }
0xa7: {  	v30 =	vor.u32 v8, v21;
	v29 =	vld [tilespmem:s13+$0x0];
	s12 =	sor.u32 s14, s12  }
0xa8: {  	v31 =	vld [tilespmem:s12+$0x0]  }
0xa9: {  	[tilespmem:v24+s18+$0x0] =	vst.idx.add.f32.msk $0xffff, v25  }
0xaa: {  	v32 =	vor.u32 v4, v23;
	v25 =	vld [tilespmem:s4+$0x100]  }
0xab: {  	[tilespmem:v27+s18+$0x0] =	vst.idx.add.f32.msk $0xffff, v26  }
0xac: {  	v24 =	vshll.u32 v29, $0x4;
	[tilespmem:v30+s18+$0x0] =	vst.idx.add.f32.msk $0xffff, v28  }
0xad: {  	v28 =	vor.u32 v9, v21;
	v30 =	vor.u32 v9, v20;
	v20 =	vmovc v22;
	v26 =	vor.u32 v1, v24;
	v27 =	vld [tilespmem:s1+$0x380];
	s1 =	smov.u32 s4  }
0xae: {  	v21 =	vmov v23;
	v24 =	vshll.u32 v31, $0x4;
	v22 =	vshll.u32 v31, $0x7;
	v31 =	vld [tilespmem:s0+$0x380];
	s0 =	smov.u32 s8  }
0xaf: {  	v33 =	vor.u32 v1, v24;
	v24 =	vor.u32 v4, v22;
	[tilespmem:v32+s18+$0x0] =	vst.idx.add.f32.msk $0xffff, v25  }
0xb0: {  	v25 =	vld [tilespmem:s0+$0x180]  }
0xb1: {  	v34 =	vor.u32 v5, v20;
	v32 =	vld [tilespmem:s1+$0x180]  }
0xb2: {  	v23 =	vshll.u32 v29, $0x7;
	v29 =	vor.u32 v5, v21;
	[tilespmem:v28+s18+$0x0] =	vst.idx.add.f32.msk $0xffff, v27  }
0xb3: {  	s4 =	sadd.s32 $0x2000, s11;
	v27 =	vor.u32 v1, v23;
	[tilespmem:v30+s18+$0x0] =	vst.idx.add.f32.msk $0xffff, v31  }
0xb4: {  	s8 =	sor.u32 s14, s4;
	[tilespmem:v33+s9+$0x0] =	vst.idx.add.f32.msk $0xffff, v2  }
0xb5: {  	v30 =	vor.u32 v1, v22;
	v28 =	vld [tilespmem:s8+$0x0]  }
0xb6: {  	[tilespmem:v34+s18+$0x0] =	vst.idx.add.f32.msk $0xffff, v25  }
0xb7: {  	[tilespmem:v29+s18+$0x0] =	vst.idx.add.f32.msk $0xffff, v32  }
0xb8: {  	v25 =	vld [tilespmem:s1+$0x200]  }
0xb9: {  	[tilespmem:v26+s9+$0x0] =	vst.idx.add.f32.msk $0xffff, v2;
	v26 =	vor.u32 v6, v21  }
0xba: {  	[tilespmem:v30+s18+$0x0] =	vst.idx.add.f32.msk $0xffff, v28  }
0xbb: {  	s4 =	sor.u32 s6, s4;
	v29 =	vor.u32 v6, v20;
	v28 =	vld [tilespmem:s0+$0x200]  }
0xbc: {  	v30 =	vld [tilespmem:s4+$0x0]  }
0xbd: {  	v31 =	vld [tilespmem:s8+$0x80]  }
0xbe: {  	v32 =	vor.u32 v3, v22;
	[tilespmem:v26+s18+$0x0] =	vst.idx.add.f32.msk $0xffff, v25  }
0xbf: {  	v25 =	vld [tilespmem:s1+$0x280]  }
0xc0: {  	v33 =	vor.u32 v7, v21;
	[tilespmem:v29+s18+$0x0] =	vst.idx.add.f32.msk $0xffff, v28  }
0xc1: {  	v28 =	vld [tilespmem:s0+$0x280]  }
0xc2: {  	v29 =	vor.u32 v7, v20;
	[tilespmem:v27+s18+$0x0] =	vst.idx.add.f32.msk $0xffff, v30  }
.Ltmp3:
0xc3: {  	[tilespmem:v32+s18+$0x0] =	vst.idx.add.f32.msk $0xffff, v31;
	(pc) =	sbr.rel @p1 .LBB2_9-.Ltmp3, $4  }
0xc4: {  	v27 =	vor.u32 v3, v23;
	v26 =	vld [tilespmem:s4+$0x80]  }
0xc5: {  	[tilespmem:v33+s18+$0x0] =	vst.idx.add.f32.msk $0xffff, v25  }
0xc6: {  	v25 =	vld [tilespmem:s8+$0x100]  }
0xc7: {  	s10 =	sadd.s32 $0x100, s10;
	[tilespmem:v29+s18+$0x0] =	vst.idx.add.f32.msk $0xffff, v28  }
0xc8: {  	_ =	sdelay $0x3  }
0xc9: {  	[tilespmem:v27+s18+$0x0] =	vst.idx.add.f32.msk $0xffff, v26  }
0xca: {  	v48 =	vor.u32 v4, v23;
	v26 =	vld [tilespmem:s4+$0x100];
	_ =	sdelay $0x2  }
0xcb: {  	[tilespmem:v24+s18+$0x0] =	vst.idx.add.f32.msk $0xffff, v25  }
0xcc: {  	v50 =	vor.u32 v5, v22;
	v24 =	vld [tilespmem:s8+$0x180]  }
0xcd: {  	[tilespmem:v48+s18+$0x0] =	vst.idx.add.f32.msk $0xffff, v26  }
0xce: {  	v49 =	vor.u32 v5, v23;
	v26 =	vld [tilespmem:s4+$0x180];
	_ =	sdelay $0x2  }
0xcf: {  	[tilespmem:v50+s18+$0x0] =	vst.idx.add.f32.msk $0xffff, v24  }
0xd0: {  	v52 =	vor.u32 v6, v22;
	v24 =	vld [tilespmem:s8+$0x200]  }
0xd1: {  	[tilespmem:v49+s18+$0x0] =	vst.idx.add.f32.msk $0xffff, v26  }
0xd2: {  	v51 =	vor.u32 v6, v23;
	v26 =	vld [tilespmem:s4+$0x200]  }
0xd3: {  	v28 =	vld [tilespmem:s0+$0x300]  }
0xd4: {  	v29 =	vor.u32 v8, v20;
	v55 =	vld [tilespmem:s1+$0x300]  }
0xd5: {  	v56 =	vor.u32 v8, v21;
	[tilespmem:v52+s18+$0x0] =	vst.idx.add.f32.msk $0xffff, v24  }
0xd6: {  	v54 =	vor.u32 v7, v22;
	v24 =	vld [tilespmem:s8+$0x280]  }
0xd7: {  	[tilespmem:v51+s18+$0x0] =	vst.idx.add.f32.msk $0xffff, v26  }
0xd8: {  	v53 =	vor.u32 v7, v23;
	v26 =	vld [tilespmem:s4+$0x280]  }
0xd9: {  	[tilespmem:v29+s18+$0x0] =	vst.idx.add.f32.msk $0xffff, v28  }
0xda: {  	[tilespmem:v56+s18+$0x0] =	vst.idx.add.f32.msk $0xffff, v55  }
0xdb: {  	[tilespmem:v54+s18+$0x0] =	vst.idx.add.f32.msk $0xffff, v24  }
0xdc: {  	v57 =	vor.u32 v8, v22;
	v24 =	vld [tilespmem:s8+$0x300]  }
0xdd: {  	[tilespmem:v53+s18+$0x0] =	vst.idx.add.f32.msk $0xffff, v26  }
0xde: {  	v58 =	vor.u32 v8, v23;
	v26 =	vld [tilespmem:s4+$0x300]  }
0xdf: {  	v28 =	vld [tilespmem:s1+$0x380]  }
0xe0: {  	v59 =	vld [tilespmem:s0+$0x380]  }
0xe1: {  	v60 =	vor.u32 v9, v21;
	[tilespmem:v57+s18+$0x0] =	vst.idx.add.f32.msk $0xffff, v24  }
0xe2: {  	v20 =	vor.u32 v9, v20;
	v25 =	vld [tilespmem:s8+$0x380]  }
0xe3: {  	v63 =	vor.u32 v9, v22;
	[tilespmem:v58+s18+$0x0] =	vst.idx.add.f32.msk $0xffff, v26  }
0xe4: {  	v62 =	vor.u32 v9, v23;
	p1 =	seq.s32 s15, $0x3;
	v61 =	vld [tilespmem:s4+$0x380]  }
.Ltmp4:
0xe5: {  	_ = 	snop;
	(pc) =	sbr.rel @p1 .LBB2_14-.Ltmp4, $4  }
0xe6: {  	[tilespmem:v60+s18+$0x0] =	vst.idx.add.f32.msk $0xffff, v28  }
0xe7: {  	[tilespmem:v20+s18+$0x0] =	vst.idx.add.f32.msk $0xffff, v59  }
0xe8: {  	[tilespmem:v63+s18+$0x0] =	vst.idx.add.f32.msk $0xffff, v25  }
0xe9: {  	s6 =	sshll.u32 s15, $0x1;
	[tilespmem:v62+s18+$0x0] =	vst.idx.add.f32.msk $0xffff, v61  }
0xea: {  	s0 =	sadd.s32 $0x2, s6  }
0xeb: {  	s1 =	sshrl.u32 s0, $0x2  }
0xec: {  	s1 =	sadd.s32 $0x6, s1  }
0xed: {  	s3 =	rddreg [dreg:$0x5];
	s0 =	sshll.u32 s0, $0xF;
	s2 =	sshll.u32 s1, $0x16  }
0xee: {  	s4 =	sand.u32 $0x10000, s0;
	s2 =	sor.u32 s3, s2  }
0xef: {  	s28 =	rddreg [dreg:$0x3];
	s0 =	sor.u32 s4, s2  }
0xf0: {  	s29 =	simm.s32 $0x2000;
	s30 =	sshll.u32 s1, $0x7;
	s0 =	sshrl.u32 s0, $0x3  }
0xf1: {  	s1 =	sshll.u32 s1, $0xE;
	s2 =	sadd.s32 s28, s0;
	s0 =	simm.s32 $0x0  }
0xf2: {  	[tilespmem:s29], [sflag:$0x1] =	stream.linear.gather [hbm4b:s2+s0], $0x8000, $0x38;
	[tilespmem:$0x13080] =	vst v63  }
0xf3: {  	s1 =	sand.u32 $0x7FFE0000, s1;
	s2 =	sand.u32 $0x380, s30  }
0xf4: {  	s1 =	sor.u32 s1, s2  }
0xf5: {  	s1 =	sor.u32 s4, s1  }
0xf6: {  	s31 =	rddreg [dreg:$0x4];
	s1 =	sshrl.u32 s1, $0x3  }
0xf7: {  	s1 =	sadd.s32 s31, s1  }
0xf8: {  	s2 =	simm.s32 $0x80;
	s4 =	simm.s32 $0x100;
	s5 =	sadd.s32 $0x0, s1  }
.LBB2_12:
0xf9: {  	[tilespmem:s0], [sflag:$0x3] =	stream.linear.gather [hbm4b:s5+s7], $0x80, $0x38;
	[tilespmem:$0x13080] =	vst v63  }
0xfa: {  	s5 =	smov.u32 s2;
	s0 =	smov.u32 s4;
	p2 =	sne.s32 s2, $0xF80  }
.Ltmp5:
0xfb: {  	s2 =	sadd.s32 $0x80, s2;
	(pc) =	sbr.rel @p2 .LBB2_12-.Ltmp5, $2  }
0xfc: {  	_ =	sdelay $0x2  }
0xfd: {  	s4 =	sadd.s32 $0x100, s4;
	s5 =	sadd.s32 s5, s1  }
0xfe: {  	[tilespmem:s0], [sflag:$0x3] =	stream.linear.gather [hbm4b:s5+s7], $0x80, $0x38;
	[tilespmem:$0x13080] =	vst v63  }
.LBB2_14:
0xff: {  	[dreg:$0xe] =	wrdreg s6  }
0x100: {  	[dreg:$0xd] =	wrdreg s15;
	s0 =	simm.s32 $0x2  }
0x101: {  	_ =	swait.ge [sflag:s0], $0x8000  }
0x102: {  	[sflag:s0] =	ssyncset.done $0x0  }
0x103: {  	s19 =	simm.s32 $0x0;
	s1 =	simm.s32 $0x4;
	[sflag:s0] =	ssyncadd.s32 $0xFFFF8000  }
0x104: {  	s30 =	sand.u32 $0x7C00, s19;
	_ =	swait.ge [sflag:s1], $0x1000  }
0x105: {  	s29 =	sand.u32 $0x60, s19;
	s20 =	sshrl.u32 s30, $0x2;
	[sflag:s1] =	ssyncset.done $0x0  }
0x106: {  	s21 =	sor.u32 s29, s20;
	[sflag:s1] =	ssyncadd.s32 $0xFFFFF000  }
0x107: {  	v20 =	vld [tilespmem:s21+$0x80];
	_ =	sdelay $0x2  }
0x108: {  	s31 =	sor.u32 $0x10, s29  }
0x109: {  	s0 =	sor.u32 s31, s20  }
0x10a: {  	v22 =	vld [tilespmem:s0+$0x80];
	v21 =	vshll.u32 v20, $0x4  }
0x10b: {  	v21 =	vor.u32 v1, v21;
	_ =	sdelay $0x3  }
0x10c: {  	s22 =	sadd.s32 $0xA000, s30;
	v24 =	vshll.u32 v22, $0x4  }
0x10d: {  	s23 =	sor.u32 s29, s22;
	v20 =	vshll.u32 v20, $0x7;
	v24 =	vor.u32 v1, v24;
	[tilespmem:v21+s9+$0x0] =	vst.idx.add.f32.msk $0xffff, v2  }
0x10e: {  	v23 =	vor.u32 v1, v20;
	v21 =	vld [tilespmem:s23+$0x0];
	_ =	sdelay $0x3  }
0x10f: {  	s24 =	sadd.s32 $0xA080, s30;
	[tilespmem:v24+s9+$0x0] =	vst.idx.add.f32.msk $0xffff, v2  }
0x110: {  	s2 =	sor.u32 s29, s24;
	[tilespmem:v23+s18+$0x0] =	vst.idx.add.f32.msk $0xffff, v21  }
0x111: {  	s0 =	sor.u32 s31, s22;
	v25 =	vor.u32 v3, v20;
	v21 =	vshll.u32 v22, $0x7;
	v23 =	vld [tilespmem:s2+$0x0]  }
0x112: {  	v22 =	vld [tilespmem:s0+$0x0];
	v24 =	vor.u32 v1, v21;
	_ =	sdelay $0x3  }
0x113: {  	s4 =	sadd.s32 $0xA100, s30;
	[tilespmem:v25+s18+$0x0] =	vst.idx.add.f32.msk $0xffff, v23  }
0x114: {  	s26 =	simm.s32 $0x100;
	s8 =	simm.s32 $0x20;
	s25 =	sor.u32 s29, s4;
	[tilespmem:v24+s18+$0x0] =	vst.idx.add.f32.msk $0xffff, v22  }
0x115: {  	s5 =	sor.u32 s31, s24;
	s0 =	sand.u32 $0x7C00, s26;
	s2 =	sand.u32 $0x60, s8;
	v25 =	vor.u32 v4, v20;
	v23 =	vld [tilespmem:s25+$0x0]  }
0x116: {  	s28 =	sshrl.u32 s0, $0x2;
	s1 =	sor.u32 $0x10, s2;
	v24 =	vor.u32 v3, v21;
	v22 =	vld [tilespmem:s5+$0x0]  }
0x117: {  	s3 =	sor.u32 s1, s28  }
0x118: {  	s6 =	sor.u32 s2, s28;
	v26 =	vld [tilespmem:s3+$0x80]  }
0x119: {  	v27 =	vld [tilespmem:s6+$0x80]  }
0x11a: {  	s10 =	sadd.s32 $0xA180, s30;
	[tilespmem:v25+s18+$0x0] =	vst.idx.add.f32.msk $0xffff, v23  }
0x11b: {  	s7 =	sor.u32 s29, s10;
	[tilespmem:v24+s18+$0x0] =	vst.idx.add.f32.msk $0xffff, v22  }
0x11c: {  	s4 =	sor.u32 s31, s4;
	v25 =	vor.u32 v5, v20;
	v23 =	vld [tilespmem:s7+$0x0]  }
0x11d: {  	v28 =	vor.u32 v4, v21;
	v22 =	vshll.u32 v26, $0x4;
	v24 =	vld [tilespmem:s4+$0x0]  }
0x11e: {  	v29 =	vor.u32 v1, v22;
	_ =	sdelay $0x2  }
0x11f: {  	v22 =	vshll.u32 v27, $0x4;
	[tilespmem:v25+s18+$0x0] =	vst.idx.add.f32.msk $0xffff, v23  }
0x120: {  	s11 =	sadd.s32 $0xA200, s30;
	v23 =	vor.u32 v1, v22;
	[tilespmem:v28+s18+$0x0] =	vst.idx.add.f32.msk $0xffff, v24  }
0x121: {  	s12 =	sor.u32 s29, s11;
	s13 =	sadd.s32 $0xA000, s0;
	[tilespmem:v29+s9+$0x0] =	vst.idx.add.f32.msk $0xffff, v2  }
0x122: {  	s14 =	sor.u32 s1, s13;
	v22 =	vshll.u32 v26, $0x7;
	v24 =	vor.u32 v6, v20;
	v25 =	vld [tilespmem:s12+$0x0]  }
0x123: {  	s10 =	sor.u32 s31, s10;
	v26 =	vld [tilespmem:s14+$0x0];
	v28 =	vor.u32 v1, v22  }
0x124: {  	v30 =	vor.u32 v5, v21;
	v29 =	vld [tilespmem:s10+$0x0]  }
0x125: {  	s5 =	sor.u32 s2, s13;
	[tilespmem:v23+s9+$0x0] =	vst.idx.add.f32.msk $0xffff, v2  }
0x126: {  	v23 =	vshll.u32 v27, $0x7;
	v27 =	vld [tilespmem:s5+$0x0]  }
0x127: {  	v31 =	vor.u32 v1, v23;
	[tilespmem:v24+s18+$0x0] =	vst.idx.add.f32.msk $0xffff, v25  }
0x128: {  	[tilespmem:v28+s18+$0x0] =	vst.idx.add.f32.msk $0xffff, v26  }
0x129: {  	s15 =	sadd.s32 $0xA080, s0;
	s4 =	sor.u32 s31, s11;
	[tilespmem:v30+s18+$0x0] =	vst.idx.add.f32.msk $0xffff, v29  }
0x12a: {  	s16 =	sor.u32 s1, s15;
	v29 =	vor.u32 v6, v21;
	v28 =	vld [tilespmem:s4+$0x0]  }
0x12b: {  	v25 =	vor.u32 v3, v22;
	v24 =	vld [tilespmem:s16+$0x0]  }
0x12c: {  	s17 =	sadd.s32 $0xA280, s30;
	s5 =	sor.u32 s2, s15;
	[tilespmem:v31+s18+$0x0] =	vst.idx.add.f32.msk $0xffff, v27  }
0x12d: {  	s19 =	sor.u32 s29, s17;
	v30 =	vor.u32 v3, v23;
	v27 =	vld [tilespmem:s5+$0x0]  }
0x12e: {  	s20 =	sor.u32 s31, s17;
	s21 =	sadd.s32 $0xA100, s0;
	s22 =	sadd.s32 $0xA180, s0;
	v26 =	vld [tilespmem:s19+$0x0]  }
0x12f: {  	s23 =	sadd.s32 $0xA200, s0;
	s26 =	sadd.s32 $0xA280, s0;
	s28 =	sadd.s32 $0xA300, s30;
	[tilespmem:v29+s18+$0x0] =	vst.idx.add.f32.msk $0xffff, v28;
	v29 =	vor.u32 v7, v20  }
0x130: {  	s24 =	sor.u32 s2, s23;
	s23 =	sor.u32 s1, s23;
	s6 =	sor.u32 s31, s28;
	[tilespmem:v25+s18+$0x0] =	vst.idx.add.f32.msk $0xffff, v24  }
0x131: {  	s13 =	sor.u32 s1, s21;
	s25 =	sor.u32 s1, s22;
	s11 =	sor.u32 s2, s26;
	v24 =	vor.u32 v7, v21;
	v25 =	vld [tilespmem:s20+$0x0]  }
0x132: {  	s12 =	simm.s32 $0x2;
	s14 =	sor.u32 s2, s21;
	s10 =	sor.u32 s1, s26;
	[tilespmem:v30+s18+$0x0] =	vst.idx.add.f32.msk $0xffff, v27  }
0x133: {  	s4 =	sor.u32 s2, s22;
	v28 =	vor.u32 v4, v23;
	s5 =	sor.u32 s29, s28;
	v27 =	vld [tilespmem:s14+$0x0];
	s14 =	simm.s32 $0x200  }
.LBB2_15:
0x134: {  	s20 =	sand.u32 $0x7C00, s14;
	s12 =	sadd.s32 $0x2, s12;
	s8 =	sadd.s32 $0x20, s8;
	[tilespmem:v29+s18+$0x0] =	vst.idx.add.f32.msk $0xffff, v26  }
0x135: {  	s28 =	sand.u32 $0x60, s8;
	s15 =	sshrl.u32 s20, $0x2;
	s16 =	sadd.s32 $0xA100, s20;
	v26 =	vld [tilespmem:s5+$0x0]  }
0x136: {  	v29 =	vor.u32 v8, v20;
	s21 =	sor.u32 s28, s15;
	s5 =	sor.u32 s28, s16;
	s22 =	sor.u32 $0x10, s28;
	[tilespmem:v24+s18+$0x0] =	vst.idx.add.f32.msk $0xffff, v25  }
0x137: {  	s19 =	sadd.s32 $0xA180, s20;
	v25 =	vor.u32 v8, v21;
	s7 =	sor.u32 s22, s15;
	s9 =	sor.u32 s22, s16;
	v24 =	vld [tilespmem:s6+$0x0]  }
0x138: {  	s26 =	sor.u32 s28, s19;
	s6 =	sadd.s32 $0xA200, s20;
	s19 =	sor.u32 s22, s19;
	[tilespmem:v28+s18+$0x0] =	vst.idx.add.f32.msk $0xffff, v27  }
0x139: {  	s17 =	sadd.s32 $0xA280, s20;
	s3 =	sor.u32 s28, s6;
	s16 =	sor.u32 s22, s6;
	v27 =	vld [tilespmem:s4+$0x0]  }
0x13a: {  	v30 =	vor.u32 v9, v21;
	p2 =	slt.u32 s12, $0xFE;
	v21 =	vmov v22;
	s15 =	sor.u32 s28, s17;
	s6 =	sor.u32 s22, s17;
	v28 =	vld [tilespmem:s7+$0x80]  }
0x13b: {  	s4 =	sadd.s32 $0xA380, s30;
	s30 =	smov.u32 s0;
	s0 =	smov.u32 s20;
	[tilespmem:v29+s18+$0x0] =	vst.idx.add.f32.msk $0xffff, v26  }
0x13c: {  	s7 =	sor.u32 s29, s4;
	s4 =	sor.u32 s31, s4;
	s29 =	smov.u32 s2;
	v26 =	vor.u32 v5, v23;
	[tilespmem:v25+s18+$0x0] =	vst.idx.add.f32.msk $0xffff, v24  }
0x13d: {  	s2 =	smov.u32 s28;
	s31 =	smov.u32 s1;
	s1 =	smov.u32 s22;
	v24 =	vor.u32 v9, v20;
	v20 =	vmov v23;
	v25 =	vld [tilespmem:s4+$0x0]  }
0x13e: {  	s4 =	smov.u32 s26;
	v23 =	vld [tilespmem:s21+$0x80]  }
0x13f: {  	v29 =	vld [tilespmem:s7+$0x0]  }
0x140: {  	v32 =	vor.u32 v4, v21;
	v31 =	vshll.u32 v28, $0x4;
	v22 =	vshll.u32 v28, $0x7;
	v28 =	vld [tilespmem:s13+$0x0];
	s13 =	smov.u32 s9;
	s9 =	simm.s32 $0x12980  }
0x141: {  	v31 =	vor.u32 v1, v31;
	[tilespmem:v26+s18+$0x0] =	vst.idx.add.f32.msk $0xffff, v27  }
0x142: {  	[tilespmem:v30+s18+$0x0] =	vst.idx.add.f32.msk $0xffff, v25  }
0x143: {  	v25 =	vshll.u32 v23, $0x4;
	v23 =	vshll.u32 v23, $0x7;
	v26 =	vld [tilespmem:s24+$0x0];
	s24 =	smov.u32 s3  }
0x144: {  	v25 =	vor.u32 v1, v25;
	[tilespmem:v24+s18+$0x0] =	vst.idx.add.f32.msk $0xffff, v29  }
0x145: {  	s3 =	sadd.s32 $0xA000, s0;
	[tilespmem:v32+s18+$0x0] =	vst.idx.add.f32.msk $0xffff, v28  }
0x146: {  	s7 =	sor.u32 s2, s3;
	s3 =	sor.u32 s1, s3;
	v24 =	vor.u32 v6, v20;
	[tilespmem:v31+s9+$0x0] =	vst.idx.add.f32.msk $0xffff, v2  }
0x147: {  	v28 =	vor.u32 v1, v22;
	v27 =	vld [tilespmem:s3+$0x0]  }
0x148: {  	v30 =	vor.u32 v5, v21;
	v29 =	vld [tilespmem:s25+$0x0];
	s25 =	smov.u32 s19  }
0x149: {  	[tilespmem:v25+s9+$0x0] =	vst.idx.add.f32.msk $0xffff, v2  }
0x14a: {  	v25 =	vld [tilespmem:s7+$0x0]  }
0x14b: {  	v31 =	vor.u32 v1, v23;
	s3 =	sadd.s32 $0xA080, s0;
	[tilespmem:v24+s18+$0x0] =	vst.idx.add.f32.msk $0xffff, v26  }
0x14c: {  	s7 =	sor.u32 s2, s3;
	s3 =	sor.u32 s1, s3;
	[tilespmem:v28+s18+$0x0] =	vst.idx.add.f32.msk $0xffff, v27  }
0x14d: {  	v26 =	vor.u32 v3, v22;
	v24 =	vld [tilespmem:s3+$0x0]  }
0x14e: {  	[tilespmem:v30+s18+$0x0] =	vst.idx.add.f32.msk $0xffff, v29  }
0x14f: {  	v28 =	vor.u32 v6, v21;
	v27 =	vld [tilespmem:s23+$0x0];
	s23 =	smov.u32 s16  }
0x150: {  	[tilespmem:v31+s18+$0x0] =	vst.idx.add.f32.msk $0xffff, v25  }
0x151: {  	v31 =	vor.u32 v3, v23;
	v30 =	vld [tilespmem:s7+$0x0]  }
0x152: {  	[tilespmem:v26+s18+$0x0] =	vst.idx.add.f32.msk $0xffff, v24;
	v24 =	vor.u32 v7, v21  }
.Ltmp6:
0x153: {  	v29 =	vor.u32 v7, v20;
	v26 =	vld [tilespmem:s11+$0x0];
	s11 =	smov.u32 s15;
	(pc) =	sbr.rel @p2 .LBB2_15-.Ltmp6, $4  }
0x154: {  	[tilespmem:v28+s18+$0x0] =	vst.idx.add.f32.msk $0xffff, v27  }
0x155: {  	v25 =	vld [tilespmem:s10+$0x0];
	s10 =	smov.u32 s6  }
0x156: {  	s3 =	sadd.s32 $0xA300, s30;
	[tilespmem:v31+s18+$0x0] =	vst.idx.add.f32.msk $0xffff, v30  }
0x157: {  	s14 =	sadd.s32 $0x100, s14;
	v28 =	vor.u32 v4, v23;
	s6 =	sor.u32 s31, s3;
	v27 =	vld [tilespmem:s5+$0x0];
	s5 =	sor.u32 s29, s3  }
0x158: {  	_ = 	snop  }
0x159: {  	v30 =	vld [tilespmem:s13+$0x0];
	v31 =	vor.u32 v4, v22;
	_ =	sdelay $0x2  }
0x15a: {  	[tilespmem:v28+s18+$0x0] =	vst.idx.add.f32.msk $0xffff, v27  }
0x15b: {  	v45 =	vor.u32 v5, v23;
	v27 =	vld [tilespmem:s4+$0x0]  }
0x15c: {  	[tilespmem:v31+s18+$0x0] =	vst.idx.add.f32.msk $0xffff, v30  }
0x15d: {  	v46 =	vor.u32 v5, v22;
	v30 =	vld [tilespmem:s25+$0x0];
	_ =	sdelay $0x1  }
0x15e: {  	[tilespmem:v29+s18+$0x0] =	vst.idx.add.f32.msk $0xffff, v26  }
0x15f: {  	[tilespmem:v45+s18+$0x0] =	vst.idx.add.f32.msk $0xffff, v27  }
0x160: {  	v48 =	vor.u32 v6, v23;
	v47 =	vld [tilespmem:s24+$0x0]  }
0x161: {  	[tilespmem:v46+s18+$0x0] =	vst.idx.add.f32.msk $0xffff, v30  }
0x162: {  	v50 =	vor.u32 v6, v22;
	v49 =	vld [tilespmem:s23+$0x0]  }
0x163: {  	v51 =	vld [tilespmem:s5+$0x0]  }
0x164: {  	[tilespmem:v24+s18+$0x0] =	vst.idx.add.f32.msk $0xffff, v25  }
0x165: {  	v52 =	vor.u32 v8, v20;
	[tilespmem:v48+s18+$0x0] =	vst.idx.add.f32.msk $0xffff, v47  }
0x166: {  	v53 =	vor.u32 v7, v23;
	v26 =	vld [tilespmem:s11+$0x0]  }
0x167: {  	[tilespmem:v50+s18+$0x0] =	vst.idx.add.f32.msk $0xffff, v49  }
0x168: {  	v54 =	vor.u32 v7, v22;
	v29 =	vld [tilespmem:s10+$0x0]  }
0x169: {  	v55 =	vld [tilespmem:s6+$0x0]  }
0x16a: {  	s3 =	sadd.s32 $0xA300, s0;
	[tilespmem:v52+s18+$0x0] =	vst.idx.add.f32.msk $0xffff, v51  }
0x16b: {  	v56 =	vor.u32 v8, v21;
	s25 =	sor.u32 s2, s3;
	[tilespmem:v53+s18+$0x0] =	vst.idx.add.f32.msk $0xffff, v26  }
0x16c: {  	v26 =	vld [tilespmem:s25+$0x0]  }
0x16d: {  	v57 =	vor.u32 v8, v23;
	s26 =	sadd.s32 $0xA380, s30;
	s3 =	sor.u32 s1, s3;
	[tilespmem:v54+s18+$0x0] =	vst.idx.add.f32.msk $0xffff, v29  }
0x16e: {  	v58 =	vor.u32 v8, v22;
	s4 =	sor.u32 s29, s26;
	v28 =	vld [tilespmem:s3+$0x0]  }
0x16f: {  	v59 =	vld [tilespmem:s4+$0x0]  }
0x170: {  	s28 =	sor.u32 s31, s26;
	[tilespmem:v56+s18+$0x0] =	vst.idx.add.f32.msk $0xffff, v55  }
0x171: {  	v24 =	vld [tilespmem:s28+$0x0]  }
0x172: {  	s30 =	sadd.s32 $0xA380, s0;
	v20 =	vor.u32 v9, v20;
	[tilespmem:v57+s18+$0x0] =	vst.idx.add.f32.msk $0xffff, v26  }
0x173: {  	v60 =	vor.u32 v9, v21;
	s0 =	sor.u32 s2, s30;
	[tilespmem:v58+s18+$0x0] =	vst.idx.add.f32.msk $0xffff, v28  }
0x174: {  	v63 =	vor.u32 v9, v23;
	s31 =	sor.u32 s1, s30;
	v27 =	vld [tilespmem:s0+$0x0]  }
0x175: {  	v61 =	vor.u32 v9, v22;
	v62 =	vld [tilespmem:s31+$0x0]  }
.Ltmp7:
0x176: {  	_ = 	snop;
	(pc) =	sbr.rel @p1 .LBB2_17-.Ltmp7, $4  }
0x177: {  	[tilespmem:v20+s18+$0x0] =	vst.idx.add.f32.msk $0xffff, v59  }
0x178: {  	[tilespmem:v60+s18+$0x0] =	vst.idx.add.f32.msk $0xffff, v24  }
0x179: {  	[tilespmem:v63+s18+$0x0] =	vst.idx.add.f32.msk $0xffff, v27  }
0x17a: {  	[tilespmem:v61+s18+$0x0] =	vst.idx.add.f32.msk $0xffff, v62  }
0x17b: {  	s0 =	rddreg [dreg:$0xe]  }
0x17c: {  	s0 =	sadd.s32 $0x3, s0  }
0x17d: {  	s1 =	sshrl.u32 s0, $0x2  }
0x17e: {  	s1 =	sadd.s32 $0x6, s1  }
0x17f: {  	s3 =	rddreg [dreg:$0x5];
	s0 =	sshll.u32 s0, $0xF;
	s2 =	sshll.u32 s1, $0x16  }
0x180: {  	s0 =	sand.u32 $0x18000, s0;
	s2 =	sor.u32 s3, s2  }
0x181: {  	s28 =	rddreg [dreg:$0x3];
	s2 =	sor.u32 s0, s2  }
0x182: {  	s29 =	simm.s32 $0x0;
	s4 =	simm.s32 $0xA000;
	s2 =	sshrl.u32 s2, $0x3  }
0x183: {  	s30 =	sshll.u32 s1, $0x7;
	s1 =	sshll.u32 s1, $0xE;
	s2 =	sadd.s32 s28, s2  }
0x184: {  	[tilespmem:s4], [sflag:$0x2] =	stream.linear.gather [hbm4b:s2+s29], $0x8000, $0x38;
	[tilespmem:$0x13080] =	vst v63  }
0x185: {  	s1 =	sand.u32 $0x7FFE0000, s1;
	s2 =	sand.u32 $0x380, s30  }
0x186: {  	s1 =	sor.u32 s1, s2  }
0x187: {  	s0 =	sor.u32 s0, s1  }
0x188: {  	s31 =	rddreg [dreg:$0x4];
	s0 =	sshrl.u32 s0, $0x3  }
0x189: {  	s7 =	simm.s32 $0x0;
	s4 =	simm.s32 $0x180;
	s0 =	sadd.s32 s31, s0  }
0x18a: {  	s2 =	simm.s32 $0x80;
	s1 =	simm.s32 $0x80;
	s5 =	sadd.s32 $0x0, s0  }
.LBB2_24:
0x18b: {  	[tilespmem:s1], [sflag:$0x4] =	stream.linear.gather [hbm4b:s5+s7], $0x80, $0x38;
	[tilespmem:$0x13080] =	vst v63  }
0x18c: {  	s3 =	smov.u32 s2;
	s1 =	smov.u32 s4;
	p1 =	sne.s32 s2, $0xF80  }
.Ltmp8:
0x18d: {  	s2 =	sadd.s32 $0x80, s2;
	(pc) =	sbr.rel @p1 .LBB2_24-.Ltmp8, $2  }
0x18e: {  	_ =	sdelay $0x2  }
0x18f: {  	s4 =	sadd.s32 $0x100, s4;
	s5 =	sadd.s32 s3, s0  }
.Ltmp9:
0x190: {  	(pc) =	sbr.rel .LBB2_8-.Ltmp9, $4  }
0x191: {  	_ = 	snop  }
0x192: {  	[tilespmem:s1], [sflag:$0x4] =	stream.linear.gather [hbm4b:s5+s7], $0x80, $0x38;
	[tilespmem:$0x13080] =	vst v63  }
0x193: {  	s15 =	rddreg [dreg:$0xd]  }
0x194: {  	s15 =	sadd.s32 $0x1, s15  }
.LBB2_17:
0x195: {  	s0 =	simm.s32 $0x0;
	s3 =	rddreg [dreg:$0x6]  }
0x196: {  	s1 =	simm.s32 $0x12000;
	s7 =	simm.s32 $0x0;
	s8 =	rddreg [dreg:$0x8]  }
0x197: {  	s4 =	simm.s32 $0x1;
	s2 =	simm.s32 $0x0;
	s5 =	simm.s32 $0x12B00;
	v20 =	vld [tilespmem:s1+$0x0]  }
.LBB2_18:
0x198: {  	p1 =	sne.s32 s4, $0x97;
	_ =	sdelay $0x3  }
0x199: {  	(xrf2) =	vadd.scan.msk.f32 $0xffff, v20;
	_ =	sdelay $0x5  }
0x19a: {  	v20 =	vmov s2;
	s2 =	smov.u32 s4;
	_ =	sdelay $0x1  }
.Ltmp10:
0x19b: {  	(pc) =	sbr.rel @p1 .LBB2_18-.Ltmp10, $4  }
0x19c: {  	_ = 	snop  }
0x19d: {  	v21, _, _ =	vpop (xrf2)  }
0x19e: {  	s1 =	sadd.s32 $0x10, s1;
	[tilespmem:v20+s5+$0x0] =	vst.idx.msk vm0, v21  }
0x19f: {  	s4 =	sadd.s32 $0x1, s4;
	v20 =	vld [tilespmem:s1+$0x0]  }
0x1a0: {  	_ =	sdelay $0x3  }
0x1a1: {  	(xrf2) =	vadd.scan.msk.f32 $0xffff, v20;
	_ =	sdelay $0x5  }
0x1a2: {  	v20 =	vmov s2;
	_ =	sdelay $0x3  }
0x1a3: {  	v21, _, _ =	vpop (xrf2)  }
0x1a4: {  	s1 =	simm.s32 $0x12980;
	[tilespmem:v20+s5+$0x0] =	vst.idx.msk vm0, v21  }
0x1a5: {  	s4 =	simm.s32 $0x12C00;
	s2 =	simm.s32 $0x1;
	v20 =	vld [tilespmem:s1+$0x0]  }
.LBB2_20:
0x1a6: {  	p1 =	sne.s32 s2, $0x12;
	_ =	sdelay $0x3  }
0x1a7: {  	(xrf2) =	vadd.scan.msk.f32 $0xffff, v20;
	_ =	sdelay $0x5  }
0x1a8: {  	v20 =	vmov s0;
	s0 =	smov.u32 s2;
	_ =	sdelay $0x1  }
.Ltmp11:
0x1a9: {  	(pc) =	sbr.rel @p1 .LBB2_20-.Ltmp11, $4  }
0x1aa: {  	_ = 	snop  }
0x1ab: {  	v21, _, _ =	vpop (xrf2)  }
0x1ac: {  	s1 =	sadd.s32 $0x10, s1;
	[tilespmem:v20+s4+$0x0] =	vst.idx.msk vm0, v21  }
0x1ad: {  	s2 =	sadd.s32 $0x1, s2;
	v20 =	vld [tilespmem:s1+$0x0]  }
0x1ae: {  	_ =	sdelay $0x3  }
0x1af: {  	(xrf2) =	vadd.scan.msk.f32 $0xffff, v20;
	_ =	sdelay $0x5  }
0x1b0: {  	v20 =	vmov s0;
	_ =	sdelay $0x3  }
0x1b1: {  	v21, _, _ =	vpop (xrf2)  }
0x1b2: {  	[tilespmem:v20+s4+$0x0] =	vst.idx.msk vm0, v21  }
0x1b3: {  	v20 =	vld [tilespmem:$0x12B00];
	_ =	sdelay $0x3  }
0x1b4: {  	s1 =	simm.s32 $0x12C80  }
0x1b5: {  	[tilespmem:v10+s1+$0x0] =	vst.idx.msk $0xffff, v20  }
0x1b6: {  	v20 =	vld [tilespmem:$0x12B10];
	_ =	sdelay $0x4  }
0x1b7: {  	[tilespmem:v11+s1+$0x0] =	vst.idx.msk $0xffff, v20  }
0x1b8: {  	v20 =	vld [tilespmem:$0x12B20];
	_ =	sdelay $0x4  }
0x1b9: {  	[tilespmem:v12+s1+$0x0] =	vst.idx.msk $0xffff, v20  }
0x1ba: {  	v20 =	vld [tilespmem:$0x12B30];
	_ =	sdelay $0x4  }
0x1bb: {  	[tilespmem:v13+s1+$0x0] =	vst.idx.msk $0xffff, v20  }
0x1bc: {  	v20 =	vld [tilespmem:$0x12B40];
	_ =	sdelay $0x4  }
0x1bd: {  	[tilespmem:v14+s1+$0x0] =	vst.idx.msk $0xffff, v20  }
0x1be: {  	v20 =	vld [tilespmem:$0x12B50];
	_ =	sdelay $0x4  }
0x1bf: {  	[tilespmem:v15+s1+$0x0] =	vst.idx.msk $0xffff, v20  }
0x1c0: {  	v20 =	vld [tilespmem:$0x12B60];
	_ =	sdelay $0x4  }
0x1c1: {  	[tilespmem:v16+s1+$0x0] =	vst.idx.msk $0xffff, v20  }
0x1c2: {  	v20 =	vld [tilespmem:$0x12B70];
	_ =	sdelay $0x4  }
0x1c3: {  	[tilespmem:v17+s1+$0x0] =	vst.idx.msk $0xffff, v20  }
0x1c4: {  	v20 =	vld [tilespmem:$0x12B80];
	_ =	sdelay $0x4  }
0x1c5: {  	[tilespmem:v18+s1+$0x0] =	vst.idx.msk $0xffff, v20  }
0x1c6: {  	v20 =	vld [tilespmem:$0x12B90];
	_ =	sdelay $0x4  }
0x1c7: {  	s28 =	rddreg [dreg:$0xa];
	s29 =	simm.s32 $0x5;
	[tilespmem:v19+s1+$0x0] =	vst.idx.msk $0xff, v20  }
0x1c8: {  	[hbm4b:s28+s7] =	stream.linear.scatter [tilespmem:s1], [sflag:$0x5], $0x400, $0x38;
	[tilespmem:$0x13080] =	vst v63  }
0x1c9: {  	_ =	swait.ge [sflag:s29], $0x400  }
0x1ca: {  	[sflag:s29] =	ssyncset.done $0x0  }
0x1cb: {  	[sflag:s29] =	ssyncadd.s32 $0xFFFFFC00  }
0x1cc: {  	s0 =	simm.s32 @!p0 $0x0;
	s1 =	simm.s32 @!p0 $0x12C00;
	s2 =	rddreg [dreg:$0x1]  }
0x1cd: {  	[hbm4b:s2+s0] =	stream.linear.scatter @!p0 [tilespmem:s1], [sflag:$0x5], $0x80, $0x38;
	[tilespmem:$0x13080] =	vst v63  }
0x1ce: {  	s0 =	simm.s32 @!p0 $0x5  }
0x1cf: {  	_ =	swait.ge @!p0 [sflag:s0], $0x80  }
0x1d0: {  	s30 =	rddreg [dreg:$0xc]  }
0x1d1: {  	s31 =	rddreg [dreg:$0xb];
	s2 =	sadd.s32 $0x1, s30  }
0x1d2: {  	p1 =	sne.s32 s2, s31  }
.Ltmp12:
0x1d3: {  	_ = 	snop;
	(pc) =	sbr.rel @p1 .LBB2_1-.Ltmp12, $3  }
0x1d4: {  	_ =	sdelay $0x1  }
0x1d5: {  	[sflag:s0] =	ssyncset.done @!p0 $0x0  }
0x1d6: {  	[sflag:s0] =	ssyncadd.s32 @!p0 $0xFFFFFF80  }
0x1d7: {  	_ =	sfence.sel $0x180000  }
0x1d8: {  	[bflag:$0x0] =	sbarrier.arrive $0xFFFF  }
0x1d9: {  	_ =	strace $0x90000047  }
0x1da: {  	s0 =	stileid.u32;
	[bflag:$0x2] =	sbarrier.arrive $0xFFFF  }
0x1db: {  	p0 =	sne.s32 s0, $0x0;
	s0 =	rddreg [dreg:$0x2]  }
0x1dc: {  	s0 =	sadd.s32 @!p0 $0x100000, s0  }
0x1dd: {  	[sflag:s0] =	ssyncadd.tile.s32 @!p0 $0x1;
	_ =	shalt  }
.Lfunc_end2:
_tile_overlayer_lowered:
.L_overlay_start_2:
0x1de: {  	(tag) =	ssettag $0x2  }
0x1df: {  	s0 =	rddreg [dreg:$0x0];
	s2 =	stileid.u32  }
0x1e0: {  	s1 =	rddreg [dreg:$0x1];
	p0 =	sne.s32 s2, $0x0  }
0x1e1: {  	s3 =	rddreg [dreg:$0x2];
	[bflag:$0x3] =	sbarrier.arrive $0xFFFF;
	s2 =	simm.s32 @!p0 $0x1C05  }
0x1e2: {  	[timem:s3], [sflag:s2] =	dma.local @!p0 [hbm:s0], s1  }
0x1e3: {  	s0 =	simm.s32 @!p0 $0x5  }
0x1e4: {  	_ =	swait.ge @!p0 [sflag:s0], s1  }
0x1e5: {  	s1 =	ssub.s32 @!p0 $0x0, s1;
	[sflag:s0] =	ssyncset.done @!p0 $0x0  }
0x1e6: {  	[sflag:s0] =	ssyncadd.s32 @!p0 s1  }
0x1e7: {  	[bflag:$0x3] =	sbarrier.arrive $0xFFFF  }
0x1e8: {  	_ =	shalt  }

</sc_bundles>
